<compile_context>
chip_gen: v7x
topology: tpu7x:2x2x1
jax: 0.10.2.dev20260603
libtpu: 0.0.44.dev20260713+nightly
codegen_flags: <defaults>
</compile_context>

<pallas_src>
import functools

import jax
import jax.numpy as jnp
from jax import lax
from jax.experimental import pallas as pl
from jax.experimental.pallas import tpu as pltpu
from jax.experimental.pallas import tpu_sc as plsc

NS = 16
NC = 2
CHUNK = 128
SEC = 2000
BN = 1000
SHIFT = 14


def _z_body(x_ref, w_ref, o_ref):
    o_ref[...] = jnp.dot(x_ref[...], w_ref[0], preferred_element_type=jnp.float32)


def _z_table(x, rw, N, D, R, H):
    nb = N // BN
    return pl.pallas_call(
        _z_body,
        grid=(R, NC, nb),
        in_specs=[
            pl.BlockSpec((BN, D), lambda r, c, n: (n, 0)),
            pl.BlockSpec((1, D, H), lambda r, c, n: (r, 0, c)),
        ],
        out_specs=pl.BlockSpec(
            (BN, H), lambda r, c, n, _nb=nb, _R=R: (c * _R * _nb + r * _nb + n, 0)),
        out_shape=jax.ShapeDtypeStruct((NC * R * N, H), jnp.float32),
    )(x, rw)


def _ep_body(cd_ref, x_ref, d_ref, nm0_ref, nm1_ref, ws_ref, b_ref, o_ref):
    cd = cd_ref[0, 0]
    tm = (d_ref[...] == cd - 1).astype(jnp.float32)
    nm = jnp.concatenate([nm0_ref[0], nm1_ref[0]], axis=-1) * tm
    acc = x_ref[...] + jnp.dot(x_ref[...], ws_ref[...],
                               preferred_element_type=jnp.float32)
    o_ref[...] = jnp.maximum(acc + b_ref[...] + nm, 0.0)


def _epilogue(cd11, x, dist2d, nm, ws, bias2d, N, D, O, H):
    nb = N // BN
    return pl.pallas_call(
        _ep_body,
        grid=(nb,),
        in_specs=[
            pl.BlockSpec((1, 1), lambda n: (0, 0)),
            pl.BlockSpec((BN, D), lambda n: (n, 0)),
            pl.BlockSpec((BN, 1), lambda n: (n, 0)),
            pl.BlockSpec((1, BN, H), lambda n: (0, n, 0)),
            pl.BlockSpec((1, BN, H), lambda n: (1, n, 0)),
            pl.BlockSpec((D, O), lambda n: (0, 0)),
            pl.BlockSpec((1, O), lambda n: (0, 0)),
        ],
        out_specs=pl.BlockSpec((BN, O), lambda n: (n, 0)),
        out_shape=jax.ShapeDtypeStruct((N, O), jnp.float32),
    )(cd11, x, dist2d, nm, nm, ws, bias2d)


def _make_sc(N, E, R, H):
    EPT = E // NS
    NSEC = EPT // SEC
    U = 32
    SLOTS = CHUNK // U
    CAP = EPT + 2 * CHUNK
    ACCR = N + 112
    ZST = ACCR // NS
    mesh = plsc.VectorSubcoreMesh(
        core_axis_name="c", subcore_axis_name="s", num_cores=NC, num_subcores=NS)

    @functools.partial(
        pl.kernel,
        out_type=jax.ShapeDtypeStruct((NC, ACCR, H), jnp.float32),
        mesh=mesh,
        compiler_params=pltpu.CompilerParams(needs_layout_passes=False),
        scratch_types=[
            pltpu.VMEM((16,), jnp.int32),
            pltpu.VMEM((N,), jnp.int32),
            pltpu.VMEM((SEC,), jnp.int32),
            pltpu.VMEM((SEC,), jnp.int32),
            pltpu.VMEM((SEC,), jnp.int32),
            pltpu.VMEM((CAP,), jnp.int32),
            pltpu.VMEM((CHUNK,), jnp.int32),
            pltpu.VMEM((CHUNK,), jnp.int32),
            pltpu.VMEM((CHUNK, H), jnp.float32),
            pltpu.VMEM_SHARED((N + 112, H), jnp.float32),
            pltpu.SemaphoreType.DMA,
            pltpu.SemaphoreType.DMA,
            pltpu.SemaphoreType.DMA,
            pltpu.SemaphoreType.DMA,
        ],
    )
    def sc(cd_hbm, src_hbm, dst_hbm, typ_hbm, dist_hbm, z_hbm, nm_hbm,
           cd_v, dist_v, src_v, dst_v, typ_v,
           pk_v, uzi_v, udi_v, rows_v, acc_sh, gs0, gs1, gs2, gs3):
        gsems = (gs0, gs1, gs2, gs3)
        c = lax.axis_index("c")
        s = lax.axis_index("s")
        ebase = pl.multiple_of(s * EPT, EPT)
        pltpu.sync_copy(cd_hbm, cd_v)
        pltpu.sync_copy(dist_hbm, dist_v)

        zero16f = jnp.zeros((16,), jnp.float32)

        def _zr(i, carry):
            for k in range(H // 16):
                rows_v[i, pl.ds(k * 16, 16)] = zero16f
            return carry
        lax.fori_loop(0, CHUNK, _zr, 0)

        zbase = pl.multiple_of(s * ZST, ZST)
        for off in range(0, ZST, CHUNK):
            n = min(CHUNK, ZST - off)
            pltpu.async_copy(rows_v.at[pl.ds(0, n)],
                             acc_sh.at[pl.ds(zbase + off, n)], gs3)

        cdvec = cd_v[...]
        cdm1 = cdvec - 1
        ii16 = lax.iota(jnp.int32, 16)

        def _grp(i, cnt):
            o = pl.multiple_of(i * 16, 16)
            s16 = src_v[pl.ds(o, 16)]
            d16 = dst_v[pl.ds(o, 16)]
            t16 = typ_v[pl.ds(o, 16)]
            sd = plsc.load_gather(dist_v, [s16])
            dd = plsc.load_gather(dist_v, [d16])
            m = (sd == cdvec) & (dd == cdm1)
            mi = m.astype(jnp.int32)
            pk = lax.bitwise_or(lax.shift_left(t16 * N + s16, SHIFT), d16)
            pos = cnt + plsc.cumsum(mi) - mi
            plsc.store_scatter(pk_v, [pos], pk, mask=m)
            return cnt + jnp.sum(mi)

        cnt = jnp.int32(0)
        for t in range(NSEC):
            sb = pl.multiple_of(ebase + t * SEC, SEC)
            pltpu.async_copy(src_hbm.at[pl.ds(sb, SEC)], src_v, gs0)
            pltpu.async_copy(dst_hbm.at[pl.ds(sb, SEC)], dst_v, gs1)
            pltpu.async_copy(typ_hbm.at[pl.ds(sb, SEC)], typ_v, gs2)
            pltpu.make_async_copy(src_hbm.at[pl.ds(sb, SEC)], src_v, gs0).wait()
            pltpu.make_async_copy(dst_hbm.at[pl.ds(sb, SEC)], dst_v, gs1).wait()
            pltpu.make_async_copy(typ_hbm.at[pl.ds(sb, SEC)], typ_v, gs2).wait()
            cnt = lax.fori_loop(0, SEC // 16, _grp, cnt)

        dump16 = jnp.full((16,), N, jnp.int32)

        def _pad(k, carry):
            pos = cnt + k * 16 + ii16
            plsc.store_scatter(pk_v, [pos], dump16)
            return carry
        lax.fori_loop(0, CHUNK // 16, _pad, 0)

        for off in range(0, ZST, CHUNK):
            n = min(CHUNK, ZST - off)
            pltpu.make_async_copy(rows_v.at[pl.ds(0, n)],
                                  acc_sh.at[pl.ds(zbase + off, n)], gs3).wait()
        plsc.subcore_barrier()

        zoff = c * (R * N)
        nchunks = lax.div(cnt + (CHUNK - 1), jnp.int32(CHUNK))

        def _chunk(j, carry):
            base = j * CHUNK
            for k in range(CHUNK // 16):
                pk = plsc.load_gather(pk_v, [base + k * 16 + ii16])
                uzi_v[pl.ds(k * 16, 16)] = (
                    lax.shift_right_logical(pk, SHIFT) + zoff)
                udi_v[pl.ds(k * 16, 16)] = lax.bitwise_and(
                    pk, (1 << SHIFT) - 1)
            for b in range(SLOTS):
                pltpu.async_copy(z_hbm.at[uzi_v.at[pl.ds(b * U, U)]],
                                 rows_v.at[pl.ds(b * U, U)], gsems[b])
            for b in range(SLOTS):
                pltpu.make_async_copy(z_hbm.at[uzi_v.at[pl.ds(b * U, U)]],
                                      rows_v.at[pl.ds(b * U, U)],
                                      gsems[b]).wait()
            pltpu.sync_copy(rows_v, acc_sh.at[udi_v], add=True)
            return carry
        lax.fori_loop(0, nchunks, _chunk, 0)

        plsc.subcore_barrier()
        pltpu.sync_copy(acc_sh.at[pl.ds(zbase, ZST)],
                        nm_hbm.at[c, pl.ds(zbase, ZST)])

    return sc


def kernel(x, edge_index, edge_types, distances, current_distance,
           relation_weights, self_weight, bias):
    N, D = x.shape
    O = self_weight.shape[1]
    R = relation_weights.shape[0]
    E = edge_types.shape[0]
    H = O // 2

    cd = jnp.asarray(current_distance, dtype=jnp.int32)
    cd16 = jnp.full((16,), cd, dtype=jnp.int32)
    cd11 = cd.reshape(1, 1)
    dist2d = distances.reshape(N, 1)
    bias2d = bias.reshape(1, O)

    z = _z_table(x, relation_weights, N, D, R, H)
    nm = _make_sc(N, E, R, H)(
        cd16, edge_index[0], edge_index[1], edge_types, distances, z)
    return _epilogue(cd11, x, dist2d, nm, self_weight, bias2d, N, D, O, H)

# --- scband reference (transcript-rebuilt; emitter-appended) ---
"""Pipeline reference for scband-query-centered-bfslayer-6854767805051 (READ-ONLY COPY).

The authoritative reference and input builder live on the scoring server;
editing this copy changes nothing except your own understanding.
"""

import jax, jax.numpy as jnp
import numpy as np

N_NODES = 10000
N_EDGES = 160000
IN_DIM = 256
OUT_DIM = 256
NUM_RELATIONS = 8


def setup_inputs(seed: int = 0) -> dict:
    key = jax.random.key(seed)
    k1, k2, k3, k4, k5, k6 = jax.random.split(key, 6)
    x = jax.random.normal(k1, (N_NODES, IN_DIM), dtype=jnp.float32)
    edge_index = jax.random.randint(k2, (2, N_EDGES), 0, N_NODES, dtype=jnp.int32)
    edge_types = jax.random.randint(k3, (N_EDGES,), 0, NUM_RELATIONS, dtype=jnp.int32)
    distances = jax.random.randint(k4, (N_NODES,), 0, 4, dtype=jnp.int32)
    current_distance = 2
    # xavier_uniform on view(num_relations, in_dim*out_dim): fan_in=in_dim*out_dim, fan_out=num_relations
    b_rw = float(np.sqrt(6.0 / (IN_DIM * OUT_DIM + NUM_RELATIONS)))
    relation_weights = jax.random.uniform(k5, (NUM_RELATIONS, IN_DIM, OUT_DIM), minval=-b_rw, maxval=b_rw, dtype=jnp.float32)
    b_sw = float(np.sqrt(6.0 / (IN_DIM + OUT_DIM)))
    self_weight = jax.random.uniform(k6, (IN_DIM, OUT_DIM), minval=-b_sw, maxval=b_sw, dtype=jnp.float32)
    bias = jnp.zeros((OUT_DIM,), dtype=jnp.float32)
    return {
        'x': x,
        'edge_index': edge_index,
        'edge_types': edge_types,
        'distances': distances,
        'current_distance': current_distance,
        'relation_weights': relation_weights,
        'self_weight': self_weight,
        'bias': bias,
    }


def reference(x, edge_index, edge_types, distances, current_distance, relation_weights, self_weight, bias):
    num_nodes = x.shape[0]
    out_dim = self_weight.shape[1]
    self_message = x @ self_weight
    source_mask = distances == current_distance
    src = edge_index[0]
    dst = edge_index[1]
    src_d = distances[src]
    dst_d = distances[dst]
    base_valid = (src_d == current_distance) & (dst_d == (current_distance - 1))
    src_feat = x[src]
    msgs = jnp.zeros((src.shape[0], out_dim), dtype=jnp.float32)
    for r in range(relation_weights.shape[0]):
        m = (edge_types == r) & base_valid
        masked_feat = jnp.where(m[:, None], src_feat, 0.0)
        msgs = msgs + masked_feat @ relation_weights[r]
    neighbor_message = jnp.zeros((num_nodes, out_dim), dtype=jnp.float32).at[dst].add(msgs)
    target_mask = distances == (current_distance - 1)
    out = x + self_message
    out = out + jnp.where(target_mask[:, None], neighbor_message, 0.0)
    # dropout in eval mode is identity
    main = jax.nn.relu(out + bias)
    fallback = jax.nn.relu(x + self_message + bias)
    has_source = jnp.any(source_mask)
    return jnp.where(has_source, main, fallback)

if __name__ == "__main__":
    import jax
    _d = setup_inputs()
    print(jax.jit(kernel)(*tuple(_d.values())))

</pallas_src>

<mosaic_0001>
#map = affine_map<(d0, d1) -> (0)>
#map1 = affine_map<(d0, d1) -> (0, 0)>
#map2 = affine_map<(d0, d1) -> (0, 0, 0)>
module attributes {stable_mosaic.version = 14 : i64} {
  func.func @sc(%arg0: i32, %arg1: i32, %arg2: memref<16xi32, #tpu.memory_space<hbm>>, %arg3: memref<160000xi32, #tpu.memory_space<hbm>>, %arg4: memref<160000xi32, #tpu.memory_space<hbm>>, %arg5: memref<160000xi32, #tpu.memory_space<hbm>>, %arg6: memref<10000xi32, #tpu.memory_space<hbm>>, %arg7: memref<160000x128xf32, #tpu.memory_space<hbm>>, %arg8: memref<2x10112x128xf32, #tpu.memory_space<hbm>>, %arg9: memref<16xi32, #tpu.memory_space<vmem>>, %arg10: memref<10000xi32, #tpu.memory_space<vmem>>, %arg11: memref<2000xi32, #tpu.memory_space<vmem>>, %arg12: memref<2000xi32, #tpu.memory_space<vmem>>, %arg13: memref<2000xi32, #tpu.memory_space<vmem>>, %arg14: memref<10256xi32, #tpu.memory_space<vmem>>, %arg15: memref<128xi32, #tpu.memory_space<vmem>>, %arg16: memref<128xi32, #tpu.memory_space<vmem>>, %arg17: memref<128x128xf32, #tpu.memory_space<vmem>>, %arg18: memref<10112x128xf32, #tpu.memory_space<vmem_shared>>, %arg19: memref<!tpu.dma_semaphore, #tpu.memory_space<semaphore_mem>>, %arg20: memref<!tpu.dma_semaphore, #tpu.memory_space<semaphore_mem>>, %arg21: memref<!tpu.dma_semaphore, #tpu.memory_space<semaphore_mem>>, %arg22: memref<!tpu.dma_semaphore, #tpu.memory_space<semaphore_mem>>) attributes {dimension_semantics = [#tpu.dimension_semantics<core_parallel>, #tpu.dimension_semantics<subcore_parallel>], iteration_bounds = array<i64: 2, 16>, scalar_prefetch = 0 : i64, scratch_operands = 14 : i64, tpu.core_type = #tpu.core_type<sc_vector_subcore>, window_params = [{transform_indices = #map}, {transform_indices = #map}, {transform_indices = #map}, {transform_indices = #map}, {transform_indices = #map}, {transform_indices = #map1}, {transform_indices = #map2}]} {
    %mul3A = arith.constant 10000 : i32
    %mul3A_0 = arith.muli %arg1, %mul3A : i32
    %multiple_of3A = tpu.assume_multiple %mul3A_0, 10000 : i32
    "tpu.region"() ({
      %run_scoped3A = tpu.sem_alloc : memref<!tpu.dma_semaphore, #tpu.memory_space<semaphore_mem>>
      tpu.enqueue_dma source(%arg2 : memref<16xi32, #tpu.memory_space<hbm>>) target(%arg9 : memref<16xi32, #tpu.memory_space<vmem>>) target_semaphore(%run_scoped3A : memref<!tpu.dma_semaphore, #tpu.memory_space<semaphore_mem>>)
      tpu.wait_dma2 semaphore(%run_scoped3A : memref<!tpu.dma_semaphore, #tpu.memory_space<semaphore_mem>>) src(%arg2 : memref<16xi32, #tpu.memory_space<hbm>>) dst(%arg9 : memref<16xi32, #tpu.memory_space<vmem>>)
      tpu.yield
    }) : () -> ()
    "tpu.region"() ({
      %run_scoped3A = tpu.sem_alloc : memref<!tpu.dma_semaphore, #tpu.memory_space<semaphore_mem>>
      tpu.enqueue_dma source(%arg6 : memref<10000xi32, #tpu.memory_space<hbm>>) target(%arg10 : memref<10000xi32, #tpu.memory_space<vmem>>) target_semaphore(%run_scoped3A : memref<!tpu.dma_semaphore, #tpu.memory_space<semaphore_mem>>)
      tpu.wait_dma2 semaphore(%run_scoped3A : memref<!tpu.dma_semaphore, #tpu.memory_space<semaphore_mem>>) src(%arg6 : memref<10000xi32, #tpu.memory_space<hbm>>) dst(%arg10 : memref<10000xi32, #tpu.memory_space<vmem>>)
      tpu.yield
    }) : () -> ()
    %broadcast_in_dim3A = arith.constant 0.000000e+00 : f32
    %broadcast_in_dim3A_1 = vector.broadcast %broadcast_in_dim3A : f32 to vector<16xf32>
    %scan3A = arith.constant 0 : i32
    %scan3A_2 = arith.constant 0 : i32
    %scan3A_3 = arith.constant 128 : i32
    %scan3A_4 = arith.addi %scan3A_2, %scan3A_3 : i32
    %scan3A_5 = arith.constant 1 : i32
    scf.for %scan3A_259 = %scan3A_2 to %scan3A_4 step %scan3A_5  : i32 {
      %swap3A = arith.index_cast %scan3A_259 : i32 to index
      %swap3A_260 = arith.constant 0 : index
      %swap3A_261 = tpu.vector_load %arg17[%swap3A, %swap3A_260] {strides = array<i32>} : memref<128x128xf32, #tpu.memory_space<vmem>>, vector<16xf32>,
      tpu.vector_store %arg17[%swap3A, %swap3A_260], %broadcast_in_dim3A_1 {strides = array<i32>} : memref<128x128xf32, #tpu.memory_space<vmem>>, vector<16xf32>,
      %swap3A_262 = arith.index_cast %scan3A_259 : i32 to index
      %swap3A_263 = arith.constant 16 : index
      %swap3A_264 = tpu.vector_load %arg17[%swap3A_262, %swap3A_263] {strides = array<i32>} : memref<128x128xf32, #tpu.memory_space<vmem>>, vector<16xf32>,
      tpu.vector_store %arg17[%swap3A_262, %swap3A_263], %broadcast_in_dim3A_1 {strides = array<i32>} : memref<128x128xf32, #tpu.memory_space<vmem>>, vector<16xf32>,
      %swap3A_265 = arith.index_cast %scan3A_259 : i32 to index
      %swap3A_266 = arith.constant 32 : index
      %swap3A_267 = tpu.vector_load %arg17[%swap3A_265, %swap3A_266] {strides = array<i32>} : memref<128x128xf32, #tpu.memory_space<vmem>>, vector<16xf32>,
      tpu.vector_store %arg17[%swap3A_265, %swap3A_266], %broadcast_in_dim3A_1 {strides = array<i32>} : memref<128x128xf32, #tpu.memory_space<vmem>>, vector<16xf32>,
      %swap3A_268 = arith.index_cast %scan3A_259 : i32 to index
      %swap3A_269 = arith.constant 48 : index
      %swap3A_270 = tpu.vector_load %arg17[%swap3A_268, %swap3A_269] {strides = array<i32>} : memref<128x128xf32, #tpu.memory_space<vmem>>, vector<16xf32>,
      tpu.vector_store %arg17[%swap3A_268, %swap3A_269], %broadcast_in_dim3A_1 {strides = array<i32>} : memref<128x128xf32, #tpu.memory_space<vmem>>, vector<16xf32>,
      %swap3A_271 = arith.index_cast %scan3A_259 : i32 to index
      %swap3A_272 = arith.constant 64 : index
      %swap3A_273 = tpu.vector_load %arg17[%swap3A_271, %swap3A_272] {strides = array<i32>} : memref<128x128xf32, #tpu.memory_space<vmem>>, vector<16xf32>,
      tpu.vector_store %arg17[%swap3A_271, %swap3A_272], %broadcast_in_dim3A_1 {strides = array<i32>} : memref<128x128xf32, #tpu.memory_space<vmem>>, vector<16xf32>,
      %swap3A_274 = arith.index_cast %scan3A_259 : i32 to index
      %swap3A_275 = arith.constant 80 : index
      %swap3A_276 = tpu.vector_load %arg17[%swap3A_274, %swap3A_275] {strides = array<i32>} : memref<128x128xf32, #tpu.memory_space<vmem>>, vector<16xf32>,
      tpu.vector_store %arg17[%swap3A_274, %swap3A_275], %broadcast_in_dim3A_1 {strides = array<i32>} : memref<128x128xf32, #tpu.memory_space<vmem>>, vector<16xf32>,
      %swap3A_277 = arith.index_cast %scan3A_259 : i32 to index
      %swap3A_278 = arith.constant 96 : index
      %swap3A_279 = tpu.vector_load %arg17[%swap3A_277, %swap3A_278] {strides = array<i32>} : memref<128x128xf32, #tpu.memory_space<vmem>>, vector<16xf32>,
      tpu.vector_store %arg17[%swap3A_277, %swap3A_278], %broadcast_in_dim3A_1 {strides = array<i32>} : memref<128x128xf32, #tpu.memory_space<vmem>>, vector<16xf32>,
      %swap3A_280 = arith.index_cast %scan3A_259 : i32 to index
      %swap3A_281 = arith.constant 112 : index
      %swap3A_282 = tpu.vector_load %arg17[%swap3A_280, %swap3A_281] {strides = array<i32>} : memref<128x128xf32, #tpu.memory_space<vmem>>, vector<16xf32>,
      tpu.vector_store %arg17[%swap3A_280, %swap3A_281], %broadcast_in_dim3A_1 {strides = array<i32>} : memref<128x128xf32, #tpu.memory_space<vmem>>, vector<16xf32>,
    }
    %scan3A_6 = arith.constant 128 : i32
    %mul3A_7 = arith.constant 632 : i32
    %mul3A_8 = arith.muli %arg1, %mul3A_7 : i32
    %multiple_of3A_9 = tpu.assume_multiple %mul3A_8, 632 : i32
    %add3A = arith.constant 0 : i32
    %add3A_10 = arith.addi %multiple_of3A_9, %add3A : i32
    %dma_start3A = arith.constant 0 : i32
    %dma_start3A_11 = arith.constant 0 : i32
    %dma_start3A_12 = tpu.memref_slice %arg17[%dma_start3A, %dma_start3A_11] : memref<128x128xf32, #tpu.memory_space<vmem>> -> memref<128x128xf32, #tpu.memory_space<vmem>>
    %dma_start3A_13 = arith.constant 0 : i32
    %dma_start3A_14 = tpu.memref_slice %arg18[%add3A_10, %dma_start3A_13] : memref<10112x128xf32, #tpu.memory_space<vmem_shared>> -> memref<128x128xf32, #tpu.memory_space<vmem_shared>>
    %dma_start3A_15 = arith.constant 0 : i32
    %dma_start3A_16 = tpu.memref_slice %arg18[%add3A_10, %dma_start3A_15] : memref<10112x128xf32, #tpu.memory_space<vmem_shared>> -> memref<128x128xf32, #tpu.memory_space<vmem_shared>>
    %dma_start3A_17 = arith.constant 0 : i32
    %dma_start3A_18 = arith.constant 0 : i32
    %dma_start3A_19 = tpu.memref_slice %arg17[%dma_start3A_17, %dma_start3A_18] : memref<128x128xf32, #tpu.memory_space<vmem>> -> memref<128x128xf32, #tpu.memory_space<vmem>>
    tpu.enqueue_dma source(%dma_start3A_19 : memref<128x128xf32, #tpu.memory_space<vmem>>) target(%dma_start3A_16 : memref<128x128xf32, #tpu.memory_space<vmem_shared>>) target_semaphore(%arg22 : memref<!tpu.dma_semaphore, #tpu.memory_space<semaphore_mem>>)
    %add3A_20 = arith.constant 128 : i32
    %add3A_21 = arith.addi %multiple_of3A_9, %add3A_20 : i32
    %dma_start3A_22 = arith.constant 0 : i32
    %dma_start3A_23 = arith.constant 0 : i32
    %dma_start3A_24 = tpu.memref_slice %arg17[%dma_start3A_22, %dma_start3A_23] : memref<128x128xf32, #tpu.memory_space<vmem>> -> memref<128x128xf32, #tpu.memory_space<vmem>>
    %dma_start3A_25 = arith.constant 0 : i32
    %dma_start3A_26 = tpu.memref_slice %arg18[%add3A_21, %dma_start3A_25] : memref<10112x128xf32, #tpu.memory_space<vmem_shared>> -> memref<128x128xf32, #tpu.memory_space<vmem_shared>>
    %dma_start3A_27 = arith.constant 0 : i32
    %dma_start3A_28 = tpu.memref_slice %arg18[%add3A_21, %dma_start3A_27] : memref<10112x128xf32, #tpu.memory_space<vmem_shared>> -> memref<128x128xf32, #tpu.memory_space<vmem_shared>>
    %dma_start3A_29 = arith.constant 0 : i32
    %dma_start3A_30 = arith.constant 0 : i32
    %dma_start3A_31 = tpu.memref_slice %arg17[%dma_start3A_29, %dma_start3A_30] : memref<128x128xf32, #tpu.memory_space<vmem>> -> memref<128x128xf32, #tpu.memory_space<vmem>>
    tpu.enqueue_dma source(%dma_start3A_31 : memref<128x128xf32, #tpu.memory_space<vmem>>) target(%dma_start3A_28 : memref<128x128xf32, #tpu.memory_space<vmem_shared>>) target_semaphore(%arg22 : memref<!tpu.dma_semaphore, #tpu.memory_space<semaphore_mem>>)
    %add3A_32 = arith.constant 256 : i32
    %add3A_33 = arith.addi %multiple_of3A_9, %add3A_32 : i32
    %dma_start3A_34 = arith.constant 0 : i32
    %dma_start3A_35 = arith.constant 0 : i32
    %dma_start3A_36 = tpu.memref_slice %arg17[%dma_start3A_34, %dma_start3A_35] : memref<128x128xf32, #tpu.memory_space<vmem>> -> memref<128x128xf32, #tpu.memory_space<vmem>>
    %dma_start3A_37 = arith.constant 0 : i32
    %dma_start3A_38 = tpu.memref_slice %arg18[%add3A_33, %dma_start3A_37] : memref<10112x128xf32, #tpu.memory_space<vmem_shared>> -> memref<128x128xf32, #tpu.memory_space<vmem_shared>>
    %dma_start3A_39 = arith.constant 0 : i32
    %dma_start3A_40 = tpu.memref_slice %arg18[%add3A_33, %dma_start3A_39] : memref<10112x128xf32, #tpu.memory_space<vmem_shared>> -> memref<128x128xf32, #tpu.memory_space<vmem_shared>>
    %dma_start3A_41 = arith.constant 0 : i32
    %dma_start3A_42 = arith.constant 0 : i32
    %dma_start3A_43 = tpu.memref_slice %arg17[%dma_start3A_41, %dma_start3A_42] : memref<128x128xf32, #tpu.memory_space<vmem>> -> memref<128x128xf32, #tpu.memory_space<vmem>>
    tpu.enqueue_dma source(%dma_start3A_43 : memref<128x128xf32, #tpu.memory_space<vmem>>) target(%dma_start3A_40 : memref<128x128xf32, #tpu.memory_space<vmem_shared>>) target_semaphore(%arg22 : memref<!tpu.dma_semaphore, #tpu.memory_space<semaphore_mem>>)
    %add3A_44 = arith.constant 384 : i32
    %add3A_45 = arith.addi %multiple_of3A_9, %add3A_44 : i32
    %dma_start3A_46 = arith.constant 0 : i32
    %dma_start3A_47 = arith.constant 0 : i32
    %dma_start3A_48 = tpu.memref_slice %arg17[%dma_start3A_46, %dma_start3A_47] : memref<128x128xf32, #tpu.memory_space<vmem>> -> memref<128x128xf32, #tpu.memory_space<vmem>>
    %dma_start3A_49 = arith.constant 0 : i32
    %dma_start3A_50 = tpu.memref_slice %arg18[%add3A_45, %dma_start3A_49] : memref<10112x128xf32, #tpu.memory_space<vmem_shared>> -> memref<128x128xf32, #tpu.memory_space<vmem_shared>>
    %dma_start3A_51 = arith.constant 0 : i32
    %dma_start3A_52 = tpu.memref_slice %arg18[%add3A_45, %dma_start3A_51] : memref<10112x128xf32, #tpu.memory_space<vmem_shared>> -> memref<128x128xf32, #tpu.memory_space<vmem_shared>>
    %dma_start3A_53 = arith.constant 0 : i32
    %dma_start3A_54 = arith.constant 0 : i32
    %dma_start3A_55 = tpu.memref_slice %arg17[%dma_start3A_53, %dma_start3A_54] : memref<128x128xf32, #tpu.memory_space<vmem>> -> memref<128x128xf32, #tpu.memory_space<vmem>>
    tpu.enqueue_dma source(%dma_start3A_55 : memref<128x128xf32, #tpu.memory_space<vmem>>) target(%dma_start3A_52 : memref<128x128xf32, #tpu.memory_space<vmem_shared>>) target_semaphore(%arg22 : memref<!tpu.dma_semaphore, #tpu.memory_space<semaphore_mem>>)
    %add3A_56 = arith.constant 512 : i32
    %add3A_57 = arith.addi %multiple_of3A_9, %add3A_56 : i32
    %dma_start3A_58 = arith.constant 0 : i32
    %dma_start3A_59 = arith.constant 0 : i32
    %dma_start3A_60 = tpu.memref_slice %arg17[%dma_start3A_58, %dma_start3A_59] : memref<128x128xf32, #tpu.memory_space<vmem>> -> memref<120x128xf32, #tpu.memory_space<vmem>>
    %dma_start3A_61 = arith.constant 0 : i32
    %dma_start3A_62 = tpu.memref_slice %arg18[%add3A_57, %dma_start3A_61] : memref<10112x128xf32, #tpu.memory_space<vmem_shared>> -> memref<120x128xf32, #tpu.memory_space<vmem_shared>>
    %dma_start3A_63 = arith.constant 0 : i32
    %dma_start3A_64 = tpu.memref_slice %arg18[%add3A_57, %dma_start3A_63] : memref<10112x128xf32, #tpu.memory_space<vmem_shared>> -> memref<120x128xf32, #tpu.memory_space<vmem_shared>>
    %dma_start3A_65 = arith.constant 0 : i32
    %dma_start3A_66 = arith.constant 0 : i32
    %dma_start3A_67 = tpu.memref_slice %arg17[%dma_start3A_65, %dma_start3A_66] : memref<128x128xf32, #tpu.memory_space<vmem>> -> memref<120x128xf32, #tpu.memory_space<vmem>>
    tpu.enqueue_dma source(%dma_start3A_67 : memref<120x128xf32, #tpu.memory_space<vmem>>) target(%dma_start3A_64 : memref<120x128xf32, #tpu.memory_space<vmem_shared>>) target_semaphore(%arg22 : memref<!tpu.dma_semaphore, #tpu.memory_space<semaphore_mem>>)
    %get3A = arith.constant 0 : index
    %get3A_68 = tpu.vector_load %arg9[%get3A] {strides = array<i32>} : memref<16xi32, #tpu.memory_space<vmem>>, vector<16xi32>,
    %sub3A = arith.constant 1 : i32
    %sub3A_69 = vector.broadcast %sub3A : i32 to vector<16xi32>
    %sub3A_70 = arith.subi %get3A_68, %sub3A_69 : vector<16xi32>
    %iota3A = tpu.iota {dimensions = array<i32: 0>} : vector<16xi32>
    %add3A_71 = arith.constant 0 : i32
    %add3A_72 = arith.addi %multiple_of3A, %add3A_71 : i32
    %multiple_of3A_73 = tpu.assume_multiple %add3A_72, 2000 : i32
    %dma_start3A_74 = tpu.memref_slice %arg3[%multiple_of3A_73] : memref<160000xi32, #tpu.memory_space<hbm>> -> memref<2000xi32, #tpu.memory_space<hbm>>
    %dma_start3A_75 = tpu.memref_slice %arg3[%multiple_of3A_73] : memref<160000xi32, #tpu.memory_space<hbm>> -> memref<2000xi32, #tpu.memory_space<hbm>>
    tpu.enqueue_dma source(%dma_start3A_75 : memref<2000xi32, #tpu.memory_space<hbm>>) target(%arg11 : memref<2000xi32, #tpu.memory_space<vmem>>) target_semaphore(%arg19 : memref<!tpu.dma_semaphore, #tpu.memory_space<semaphore_mem>>)
    %dma_start3A_76 = tpu.memref_slice %arg4[%multiple_of3A_73] : memref<160000xi32, #tpu.memory_space<hbm>> -> memref<2000xi32, #tpu.memory_space<hbm>>
    %dma_start3A_77 = tpu.memref_slice %arg4[%multiple_of3A_73] : memref<160000xi32, #tpu.memory_space<hbm>> -> memref<2000xi32, #tpu.memory_space<hbm>>
    tpu.enqueue_dma source(%dma_start3A_77 : memref<2000xi32, #tpu.memory_space<hbm>>) target(%arg12 : memref<2000xi32, #tpu.memory_space<vmem>>) target_semaphore(%arg20 : memref<!tpu.dma_semaphore, #tpu.memory_space<semaphore_mem>>)
    %dma_start3A_78 = tpu.memref_slice %arg5[%multiple_of3A_73] : memref<160000xi32, #tpu.memory_space<hbm>> -> memref<2000xi32, #tpu.memory_space<hbm>>
    %dma_start3A_79 = tpu.memref_slice %arg5[%multiple_of3A_73] : memref<160000xi32, #tpu.memory_space<hbm>> -> memref<2000xi32, #tpu.memory_space<hbm>>
    tpu.enqueue_dma source(%dma_start3A_79 : memref<2000xi32, #tpu.memory_space<hbm>>) target(%arg13 : memref<2000xi32, #tpu.memory_space<vmem>>) target_semaphore(%arg21 : memref<!tpu.dma_semaphore, #tpu.memory_space<semaphore_mem>>)
    %dma_wait3A = tpu.memref_slice %arg3[%multiple_of3A_73] : memref<160000xi32, #tpu.memory_space<hbm>> -> memref<2000xi32, #tpu.memory_space<hbm>>
    %dma_wait3A_80 = tpu.memref_slice %arg3[%multiple_of3A_73] : memref<160000xi32, #tpu.memory_space<hbm>> -> memref<2000xi32, #tpu.memory_space<hbm>>
    tpu.wait_dma2 semaphore(%arg19 : memref<!tpu.dma_semaphore, #tpu.memory_space<semaphore_mem>>) src(%dma_wait3A_80 : memref<2000xi32, #tpu.memory_space<hbm>>) dst(%arg11 : memref<2000xi32, #tpu.memory_space<vmem>>)
    %dma_wait3A_81 = tpu.memref_slice %arg4[%multiple_of3A_73] : memref<160000xi32, #tpu.memory_space<hbm>> -> memref<2000xi32, #tpu.memory_space<hbm>>
    %dma_wait3A_82 = tpu.memref_slice %arg4[%multiple_of3A_73] : memref<160000xi32, #tpu.memory_space<hbm>> -> memref<2000xi32, #tpu.memory_space<hbm>>
    tpu.wait_dma2 semaphore(%arg20 : memref<!tpu.dma_semaphore, #tpu.memory_space<semaphore_mem>>) src(%dma_wait3A_82 : memref<2000xi32, #tpu.memory_space<hbm>>) dst(%arg12 : memref<2000xi32, #tpu.memory_space<vmem>>)
    %dma_wait3A_83 = tpu.memref_slice %arg5[%multiple_of3A_73] : memref<160000xi32, #tpu.memory_space<hbm>> -> memref<2000xi32, #tpu.memory_space<hbm>>
    %dma_wait3A_84 = tpu.memref_slice %arg5[%multiple_of3A_73] : memref<160000xi32, #tpu.memory_space<hbm>> -> memref<2000xi32, #tpu.memory_space<hbm>>
    tpu.wait_dma2 semaphore(%arg21 : memref<!tpu.dma_semaphore, #tpu.memory_space<semaphore_mem>>) src(%dma_wait3A_84 : memref<2000xi32, #tpu.memory_space<hbm>>) dst(%arg13 : memref<2000xi32, #tpu.memory_space<vmem>>)
    %scan3A_85 = arith.constant 0 : i32
    %scan3A_86 = arith.constant 0 : i32
    %scan3A_87 = arith.constant 125 : i32
    %scan3A_88 = arith.addi %scan3A_86, %scan3A_87 : i32
    %scan3A_89 = arith.constant 1 : i32
    %scan3A_90 = scf.for %scan3A_259 = %scan3A_86 to %scan3A_88 step %scan3A_89 iter_args(%scan3A_260 = %scan3A_85) -> (i32)  : i32 {
      %mul3A_261 = arith.constant 16 : i32
      %mul3A_262 = arith.muli %scan3A_259, %mul3A_261 : i32
      %multiple_of3A_263 = tpu.assume_multiple %mul3A_262, 16 : i32
      %get3A_264 = arith.index_cast %multiple_of3A_263 : i32 to index
      %get3A_265 = tpu.vector_load %arg11[%get3A_264] {strides = array<i32>} : memref<2000xi32, #tpu.memory_space<vmem>>, vector<16xi32>,
      %get3A_266 = arith.index_cast %multiple_of3A_263 : i32 to index
      %get3A_267 = tpu.vector_load %arg12[%get3A_266] {strides = array<i32>} : memref<2000xi32, #tpu.memory_space<vmem>>, vector<16xi32>,
      %get3A_268 = arith.index_cast %multiple_of3A_263 : i32 to index
      %get3A_269 = tpu.vector_load %arg13[%get3A_268] {strides = array<i32>} : memref<2000xi32, #tpu.memory_space<vmem>>, vector<16xi32>,
      %gather3A = tpu.vector_load_idx %arg10[%get3A_265] : memref<10000xi32, #tpu.memory_space<vmem>>[vector<16xi32>], vector<16xi32>,
      %gather3A_270 = tpu.vector_load_idx %arg10[%get3A_267] : memref<10000xi32, #tpu.memory_space<vmem>>[vector<16xi32>], vector<16xi32>,
      %eq3A = arith.cmpi eq, %gather3A, %get3A_68 : vector<16xi32>
      %eq3A_271 = arith.cmpi eq, %gather3A_270, %sub3A_70 : vector<16xi32>
      %and3A = arith.andi %eq3A, %eq3A_271 : vector<16xi1>
      %convert_element_type3A = arith.extui %and3A : vector<16xi1> to vector<16xi32>
      %mul3A_272 = arith.constant 10000 : i32
      %mul3A_273 = vector.broadcast %mul3A_272 : i32 to vector<16xi32>
      %mul3A_274 = arith.muli %get3A_269, %mul3A_273 : vector<16xi32>
      %add3A_275 = arith.addi %mul3A_274, %get3A_265 : vector<16xi32>
      %shift_left3A = arith.constant 14 : i32
      %shift_left3A_276 = vector.broadcast %shift_left3A : i32 to vector<16xi32>
      %shift_left3A_277 = arith.shli %add3A_275, %shift_left3A_276 : vector<16xi32>
      %or3A = arith.ori %shift_left3A_277, %get3A_267 : vector<16xi32>
      %broadcast_in_dim3A_278 = arith.constant true
      %broadcast_in_dim3A_279 = vector.broadcast %broadcast_in_dim3A_278 : i1 to vector<16xi1>
      %masked_cumsum3A = tpu.scan <sum>, %convert_element_type3A masked %broadcast_in_dim3A_279 : vector<16xi32>, vector<16xi1> -> vector<16xi32>
      %add3A_280 = vector.broadcast %scan3A_260 : i32 to vector<16xi32>
      %add3A_281 = arith.addi %add3A_280, %masked_cumsum3A : vector<16xi32>
      %sub3A_282 = arith.subi %add3A_281, %convert_element_type3A : vector<16xi32>
      tpu.vector_store_idx %arg14[%sub3A_282], %or3A masked %and3A : memref<10256xi32, #tpu.memory_space<vmem>>[vector<16xi32>], vector<16xi32>, vector<16xi1>
      %reduce_sum3A = arith.constant true
      %reduce_sum3A_283 = vector.broadcast %reduce_sum3A : i1 to vector<16xi1>
      %reduce_sum3A_284 = tpu.scan <sum>, %convert_element_type3A masked %reduce_sum3A_283 : vector<16xi32>, vector<16xi1> -> vector<16xi32>
      %reduce_sum3A_285 = vector.extract %reduce_sum3A_284[15] : i32 from vector<16xi32>
      %add3A_286 = arith.addi %scan3A_260, %reduce_sum3A_285 : i32
      scf.yield %add3A_286 : i32
    }
    %scan3A_91 = arith.constant 125 : i32
    %add3A_92 = arith.constant 2000 : i32
    %add3A_93 = arith.addi %multiple_of3A, %add3A_92 : i32
    %multiple_of3A_94 = tpu.assume_multiple %add3A_93, 2000 : i32
    %dma_start3A_95 = tpu.memref_slice %arg3[%multiple_of3A_94] : memref<160000xi32, #tpu.memory_space<hbm>> -> memref<2000xi32, #tpu.memory_space<hbm>>
    %dma_start3A_96 = tpu.memref_slice %arg3[%multiple_of3A_94] : memref<160000xi32, #tpu.memory_space<hbm>> -> memref<2000xi32, #tpu.memory_space<hbm>>
    tpu.enqueue_dma source(%dma_start3A_96 : memref<2000xi32, #tpu.memory_space<hbm>>) target(%arg11 : memref<2000xi32, #tpu.memory_space<vmem>>) target_semaphore(%arg19 : memref<!tpu.dma_semaphore, #tpu.memory_space<semaphore_mem>>)
    %dma_start3A_97 = tpu.memref_slice %arg4[%multiple_of3A_94] : memref<160000xi32, #tpu.memory_space<hbm>> -> memref<2000xi32, #tpu.memory_space<hbm>>
    %dma_start3A_98 = tpu.memref_slice %arg4[%multiple_of3A_94] : memref<160000xi32, #tpu.memory_space<hbm>> -> memref<2000xi32, #tpu.memory_space<hbm>>
    tpu.enqueue_dma source(%dma_start3A_98 : memref<2000xi32, #tpu.memory_space<hbm>>) target(%arg12 : memref<2000xi32, #tpu.memory_space<vmem>>) target_semaphore(%arg20 : memref<!tpu.dma_semaphore, #tpu.memory_space<semaphore_mem>>)
    %dma_start3A_99 = tpu.memref_slice %arg5[%multiple_of3A_94] : memref<160000xi32, #tpu.memory_space<hbm>> -> memref<2000xi32, #tpu.memory_space<hbm>>
    %dma_start3A_100 = tpu.memref_slice %arg5[%multiple_of3A_94] : memref<160000xi32, #tpu.memory_space<hbm>> -> memref<2000xi32, #tpu.memory_space<hbm>>
    tpu.enqueue_dma source(%dma_start3A_100 : memref<2000xi32, #tpu.memory_space<hbm>>) target(%arg13 : memref<2000xi32, #tpu.memory_space<vmem>>) target_semaphore(%arg21 : memref<!tpu.dma_semaphore, #tpu.memory_space<semaphore_mem>>)
    %dma_wait3A_101 = tpu.memref_slice %arg3[%multiple_of3A_94] : memref<160000xi32, #tpu.memory_space<hbm>> -> memref<2000xi32, #tpu.memory_space<hbm>>
    %dma_wait3A_102 = tpu.memref_slice %arg3[%multiple_of3A_94] : memref<160000xi32, #tpu.memory_space<hbm>> -> memref<2000xi32, #tpu.memory_space<hbm>>
    tpu.wait_dma2 semaphore(%arg19 : memref<!tpu.dma_semaphore, #tpu.memory_space<semaphore_mem>>) src(%dma_wait3A_102 : memref<2000xi32, #tpu.memory_space<hbm>>) dst(%arg11 : memref<2000xi32, #tpu.memory_space<vmem>>)
    %dma_wait3A_103 = tpu.memref_slice %arg4[%multiple_of3A_94] : memref<160000xi32, #tpu.memory_space<hbm>> -> memref<2000xi32, #tpu.memory_space<hbm>>
    %dma_wait3A_104 = tpu.memref_slice %arg4[%multiple_of3A_94] : memref<160000xi32, #tpu.memory_space<hbm>> -> memref<2000xi32, #tpu.memory_space<hbm>>
    tpu.wait_dma2 semaphore(%arg20 : memref<!tpu.dma_semaphore, #tpu.memory_space<semaphore_mem>>) src(%dma_wait3A_104 : memref<2000xi32, #tpu.memory_space<hbm>>) dst(%arg12 : memref<2000xi32, #tpu.memory_space<vmem>>)
    %dma_wait3A_105 = tpu.memref_slice %arg5[%multiple_of3A_94] : memref<160000xi32, #tpu.memory_space<hbm>> -> memref<2000xi32, #tpu.memory_space<hbm>>
    %dma_wait3A_106 = tpu.memref_slice %arg5[%multiple_of3A_94] : memref<160000xi32, #tpu.memory_space<hbm>> -> memref<2000xi32, #tpu.memory_space<hbm>>
    tpu.wait_dma2 semaphore(%arg21 : memref<!tpu.dma_semaphore, #tpu.memory_space<semaphore_mem>>) src(%dma_wait3A_106 : memref<2000xi32, #tpu.memory_space<hbm>>) dst(%arg13 : memref<2000xi32, #tpu.memory_space<vmem>>)
    %scan3A_107 = arith.constant 0 : i32
    %scan3A_108 = arith.constant 125 : i32
    %scan3A_109 = arith.addi %scan3A_107, %scan3A_108 : i32
    %scan3A_110 = arith.constant 1 : i32
    %scan3A_111 = scf.for %scan3A_259 = %scan3A_107 to %scan3A_109 step %scan3A_110 iter_args(%scan3A_260 = %scan3A_90) -> (i32)  : i32 {
      %mul3A_261 = arith.constant 16 : i32
      %mul3A_262 = arith.muli %scan3A_259, %mul3A_261 : i32
      %multiple_of3A_263 = tpu.assume_multiple %mul3A_262, 16 : i32
      %get3A_264 = arith.index_cast %multiple_of3A_263 : i32 to index
      %get3A_265 = tpu.vector_load %arg11[%get3A_264] {strides = array<i32>} : memref<2000xi32, #tpu.memory_space<vmem>>, vector<16xi32>,
      %get3A_266 = arith.index_cast %multiple_of3A_263 : i32 to index
      %get3A_267 = tpu.vector_load %arg12[%get3A_266] {strides = array<i32>} : memref<2000xi32, #tpu.memory_space<vmem>>, vector<16xi32>,
      %get3A_268 = arith.index_cast %multiple_of3A_263 : i32 to index
      %get3A_269 = tpu.vector_load %arg13[%get3A_268] {strides = array<i32>} : memref<2000xi32, #tpu.memory_space<vmem>>, vector<16xi32>,
      %gather3A = tpu.vector_load_idx %arg10[%get3A_265] : memref<10000xi32, #tpu.memory_space<vmem>>[vector<16xi32>], vector<16xi32>,
      %gather3A_270 = tpu.vector_load_idx %arg10[%get3A_267] : memref<10000xi32, #tpu.memory_space<vmem>>[vector<16xi32>], vector<16xi32>,
      %eq3A = arith.cmpi eq, %gather3A, %get3A_68 : vector<16xi32>
      %eq3A_271 = arith.cmpi eq, %gather3A_270, %sub3A_70 : vector<16xi32>
      %and3A = arith.andi %eq3A, %eq3A_271 : vector<16xi1>
      %convert_element_type3A = arith.extui %and3A : vector<16xi1> to vector<16xi32>
      %mul3A_272 = arith.constant 10000 : i32
      %mul3A_273 = vector.broadcast %mul3A_272 : i32 to vector<16xi32>
      %mul3A_274 = arith.muli %get3A_269, %mul3A_273 : vector<16xi32>
      %add3A_275 = arith.addi %mul3A_274, %get3A_265 : vector<16xi32>
      %shift_left3A = arith.constant 14 : i32
      %shift_left3A_276 = vector.broadcast %shift_left3A : i32 to vector<16xi32>
      %shift_left3A_277 = arith.shli %add3A_275, %shift_left3A_276 : vector<16xi32>
      %or3A = arith.ori %shift_left3A_277, %get3A_267 : vector<16xi32>
      %broadcast_in_dim3A_278 = arith.constant true
      %broadcast_in_dim3A_279 = vector.broadcast %broadcast_in_dim3A_278 : i1 to vector<16xi1>
      %masked_cumsum3A = tpu.scan <sum>, %convert_element_type3A masked %broadcast_in_dim3A_279 : vector<16xi32>, vector<16xi1> -> vector<16xi32>
      %add3A_280 = vector.broadcast %scan3A_260 : i32 to vector<16xi32>
      %add3A_281 = arith.addi %add3A_280, %masked_cumsum3A : vector<16xi32>
      %sub3A_282 = arith.subi %add3A_281, %convert_element_type3A : vector<16xi32>
      tpu.vector_store_idx %arg14[%sub3A_282], %or3A masked %and3A : memref<10256xi32, #tpu.memory_space<vmem>>[vector<16xi32>], vector<16xi32>, vector<16xi1>
      %reduce_sum3A = arith.constant true
      %reduce_sum3A_283 = vector.broadcast %reduce_sum3A : i1 to vector<16xi1>
      %reduce_sum3A_284 = tpu.scan <sum>, %convert_element_type3A masked %reduce_sum3A_283 : vector<16xi32>, vector<16xi1> -> vector<16xi32>
      %reduce_sum3A_285 = vector.extract %reduce_sum3A_284[15] : i32 from vector<16xi32>
      %add3A_286 = arith.addi %scan3A_260, %reduce_sum3A_285 : i32
      scf.yield %add3A_286 : i32
    }
    %scan3A_112 = arith.constant 125 : i32
    %add3A_113 = arith.constant 4000 : i32
    %add3A_114 = arith.addi %multiple_of3A, %add3A_113 : i32
    %multiple_of3A_115 = tpu.assume_multiple %add3A_114, 2000 : i32
    %dma_start3A_116 = tpu.memref_slice %arg3[%multiple_of3A_115] : memref<160000xi32, #tpu.memory_space<hbm>> -> memref<2000xi32, #tpu.memory_space<hbm>>
    %dma_start3A_117 = tpu.memref_slice %arg3[%multiple_of3A_115] : memref<160000xi32, #tpu.memory_space<hbm>> -> memref<2000xi32, #tpu.memory_space<hbm>>
    tpu.enqueue_dma source(%dma_start3A_117 : memref<2000xi32, #tpu.memory_space<hbm>>) target(%arg11 : memref<2000xi32, #tpu.memory_space<vmem>>) target_semaphore(%arg19 : memref<!tpu.dma_semaphore, #tpu.memory_space<semaphore_mem>>)
    %dma_start3A_118 = tpu.memref_slice %arg4[%multiple_of3A_115] : memref<160000xi32, #tpu.memory_space<hbm>> -> memref<2000xi32, #tpu.memory_space<hbm>>
    %dma_start3A_119 = tpu.memref_slice %arg4[%multiple_of3A_115] : memref<160000xi32, #tpu.memory_space<hbm>> -> memref<2000xi32, #tpu.memory_space<hbm>>
    tpu.enqueue_dma source(%dma_start3A_119 : memref<2000xi32, #tpu.memory_space<hbm>>) target(%arg12 : memref<2000xi32, #tpu.memory_space<vmem>>) target_semaphore(%arg20 : memref<!tpu.dma_semaphore, #tpu.memory_space<semaphore_mem>>)
    %dma_start3A_120 = tpu.memref_slice %arg5[%multiple_of3A_115] : memref<160000xi32, #tpu.memory_space<hbm>> -> memref<2000xi32, #tpu.memory_space<hbm>>
    %dma_start3A_121 = tpu.memref_slice %arg5[%multiple_of3A_115] : memref<160000xi32, #tpu.memory_space<hbm>> -> memref<2000xi32, #tpu.memory_space<hbm>>
    tpu.enqueue_dma source(%dma_start3A_121 : memref<2000xi32, #tpu.memory_space<hbm>>) target(%arg13 : memref<2000xi32, #tpu.memory_space<vmem>>) target_semaphore(%arg21 : memref<!tpu.dma_semaphore, #tpu.memory_space<semaphore_mem>>)
    %dma_wait3A_122 = tpu.memref_slice %arg3[%multiple_of3A_115] : memref<160000xi32, #tpu.memory_space<hbm>> -> memref<2000xi32, #tpu.memory_space<hbm>>
    %dma_wait3A_123 = tpu.memref_slice %arg3[%multiple_of3A_115] : memref<160000xi32, #tpu.memory_space<hbm>> -> memref<2000xi32, #tpu.memory_space<hbm>>
    tpu.wait_dma2 semaphore(%arg19 : memref<!tpu.dma_semaphore, #tpu.memory_space<semaphore_mem>>) src(%dma_wait3A_123 : memref<2000xi32, #tpu.memory_space<hbm>>) dst(%arg11 : memref<2000xi32, #tpu.memory_space<vmem>>)
    %dma_wait3A_124 = tpu.memref_slice %arg4[%multiple_of3A_115] : memref<160000xi32, #tpu.memory_space<hbm>> -> memref<2000xi32, #tpu.memory_space<hbm>>
    %dma_wait3A_125 = tpu.memref_slice %arg4[%multiple_of3A_115] : memref<160000xi32, #tpu.memory_space<hbm>> -> memref<2000xi32, #tpu.memory_space<hbm>>
    tpu.wait_dma2 semaphore(%arg20 : memref<!tpu.dma_semaphore, #tpu.memory_space<semaphore_mem>>) src(%dma_wait3A_125 : memref<2000xi32, #tpu.memory_space<hbm>>) dst(%arg12 : memref<2000xi32, #tpu.memory_space<vmem>>)
    %dma_wait3A_126 = tpu.memref_slice %arg5[%multiple_of3A_115] : memref<160000xi32, #tpu.memory_space<hbm>> -> memref<2000xi32, #tpu.memory_space<hbm>>
    %dma_wait3A_127 = tpu.memref_slice %arg5[%multiple_of3A_115] : memref<160000xi32, #tpu.memory_space<hbm>> -> memref<2000xi32, #tpu.memory_space<hbm>>
    tpu.wait_dma2 semaphore(%arg21 : memref<!tpu.dma_semaphore, #tpu.memory_space<semaphore_mem>>) src(%dma_wait3A_127 : memref<2000xi32, #tpu.memory_space<hbm>>) dst(%arg13 : memref<2000xi32, #tpu.memory_space<vmem>>)
    %scan3A_128 = arith.constant 0 : i32
    %scan3A_129 = arith.constant 125 : i32
    %scan3A_130 = arith.addi %scan3A_128, %scan3A_129 : i32
    %scan3A_131 = arith.constant 1 : i32
    %scan3A_132 = scf.for %scan3A_259 = %scan3A_128 to %scan3A_130 step %scan3A_131 iter_args(%scan3A_260 = %scan3A_111) -> (i32)  : i32 {
      %mul3A_261 = arith.constant 16 : i32
      %mul3A_262 = arith.muli %scan3A_259, %mul3A_261 : i32
      %multiple_of3A_263 = tpu.assume_multiple %mul3A_262, 16 : i32
      %get3A_264 = arith.index_cast %multiple_of3A_263 : i32 to index
      %get3A_265 = tpu.vector_load %arg11[%get3A_264] {strides = array<i32>} : memref<2000xi32, #tpu.memory_space<vmem>>, vector<16xi32>,
      %get3A_266 = arith.index_cast %multiple_of3A_263 : i32 to index
      %get3A_267 = tpu.vector_load %arg12[%get3A_266] {strides = array<i32>} : memref<2000xi32, #tpu.memory_space<vmem>>, vector<16xi32>,
      %get3A_268 = arith.index_cast %multiple_of3A_263 : i32 to index
      %get3A_269 = tpu.vector_load %arg13[%get3A_268] {strides = array<i32>} : memref<2000xi32, #tpu.memory_space<vmem>>, vector<16xi32>,
      %gather3A = tpu.vector_load_idx %arg10[%get3A_265] : memref<10000xi32, #tpu.memory_space<vmem>>[vector<16xi32>], vector<16xi32>,
      %gather3A_270 = tpu.vector_load_idx %arg10[%get3A_267] : memref<10000xi32, #tpu.memory_space<vmem>>[vector<16xi32>], vector<16xi32>,
      %eq3A = arith.cmpi eq, %gather3A, %get3A_68 : vector<16xi32>
      %eq3A_271 = arith.cmpi eq, %gather3A_270, %sub3A_70 : vector<16xi32>
      %and3A = arith.andi %eq3A, %eq3A_271 : vector<16xi1>
      %convert_element_type3A = arith.extui %and3A : vector<16xi1> to vector<16xi32>
      %mul3A_272 = arith.constant 10000 : i32
      %mul3A_273 = vector.broadcast %mul3A_272 : i32 to vector<16xi32>
      %mul3A_274 = arith.muli %get3A_269, %mul3A_273 : vector<16xi32>
      %add3A_275 = arith.addi %mul3A_274, %get3A_265 : vector<16xi32>
      %shift_left3A = arith.constant 14 : i32
      %shift_left3A_276 = vector.broadcast %shift_left3A : i32 to vector<16xi32>
      %shift_left3A_277 = arith.shli %add3A_275, %shift_left3A_276 : vector<16xi32>
      %or3A = arith.ori %shift_left3A_277, %get3A_267 : vector<16xi32>
      %broadcast_in_dim3A_278 = arith.constant true
      %broadcast_in_dim3A_279 = vector.broadcast %broadcast_in_dim3A_278 : i1 to vector<16xi1>
      %masked_cumsum3A = tpu.scan <sum>, %convert_element_type3A masked %broadcast_in_dim3A_279 : vector<16xi32>, vector<16xi1> -> vector<16xi32>
      %add3A_280 = vector.broadcast %scan3A_260 : i32 to vector<16xi32>
      %add3A_281 = arith.addi %add3A_280, %masked_cumsum3A : vector<16xi32>
      %sub3A_282 = arith.subi %add3A_281, %convert_element_type3A : vector<16xi32>
      tpu.vector_store_idx %arg14[%sub3A_282], %or3A masked %and3A : memref<10256xi32, #tpu.memory_space<vmem>>[vector<16xi32>], vector<16xi32>, vector<16xi1>
      %reduce_sum3A = arith.constant true
      %reduce_sum3A_283 = vector.broadcast %reduce_sum3A : i1 to vector<16xi1>
      %reduce_sum3A_284 = tpu.scan <sum>, %convert_element_type3A masked %reduce_sum3A_283 : vector<16xi32>, vector<16xi1> -> vector<16xi32>
      %reduce_sum3A_285 = vector.extract %reduce_sum3A_284[15] : i32 from vector<16xi32>
      %add3A_286 = arith.addi %scan3A_260, %reduce_sum3A_285 : i32
      scf.yield %add3A_286 : i32
    }
    %scan3A_133 = arith.constant 125 : i32
    %add3A_134 = arith.constant 6000 : i32
    %add3A_135 = arith.addi %multiple_of3A, %add3A_134 : i32
    %multiple_of3A_136 = tpu.assume_multiple %add3A_135, 2000 : i32
    %dma_start3A_137 = tpu.memref_slice %arg3[%multiple_of3A_136] : memref<160000xi32, #tpu.memory_space<hbm>> -> memref<2000xi32, #tpu.memory_space<hbm>>
    %dma_start3A_138 = tpu.memref_slice %arg3[%multiple_of3A_136] : memref<160000xi32, #tpu.memory_space<hbm>> -> memref<2000xi32, #tpu.memory_space<hbm>>
    tpu.enqueue_dma source(%dma_start3A_138 : memref<2000xi32, #tpu.memory_space<hbm>>) target(%arg11 : memref<2000xi32, #tpu.memory_space<vmem>>) target_semaphore(%arg19 : memref<!tpu.dma_semaphore, #tpu.memory_space<semaphore_mem>>)
    %dma_start3A_139 = tpu.memref_slice %arg4[%multiple_of3A_136] : memref<160000xi32, #tpu.memory_space<hbm>> -> memref<2000xi32, #tpu.memory_space<hbm>>
    %dma_start3A_140 = tpu.memref_slice %arg4[%multiple_of3A_136] : memref<160000xi32, #tpu.memory_space<hbm>> -> memref<2000xi32, #tpu.memory_space<hbm>>
    tpu.enqueue_dma source(%dma_start3A_140 : memref<2000xi32, #tpu.memory_space<hbm>>) target(%arg12 : memref<2000xi32, #tpu.memory_space<vmem>>) target_semaphore(%arg20 : memref<!tpu.dma_semaphore, #tpu.memory_space<semaphore_mem>>)
    %dma_start3A_141 = tpu.memref_slice %arg5[%multiple_of3A_136] : memref<160000xi32, #tpu.memory_space<hbm>> -> memref<2000xi32, #tpu.memory_space<hbm>>
    %dma_start3A_142 = tpu.memref_slice %arg5[%multiple_of3A_136] : memref<160000xi32, #tpu.memory_space<hbm>> -> memref<2000xi32, #tpu.memory_space<hbm>>
    tpu.enqueue_dma source(%dma_start3A_142 : memref<2000xi32, #tpu.memory_space<hbm>>) target(%arg13 : memref<2000xi32, #tpu.memory_space<vmem>>) target_semaphore(%arg21 : memref<!tpu.dma_semaphore, #tpu.memory_space<semaphore_mem>>)
    %dma_wait3A_143 = tpu.memref_slice %arg3[%multiple_of3A_136] : memref<160000xi32, #tpu.memory_space<hbm>> -> memref<2000xi32, #tpu.memory_space<hbm>>
    %dma_wait3A_144 = tpu.memref_slice %arg3[%multiple_of3A_136] : memref<160000xi32, #tpu.memory_space<hbm>> -> memref<2000xi32, #tpu.memory_space<hbm>>
    tpu.wait_dma2 semaphore(%arg19 : memref<!tpu.dma_semaphore, #tpu.memory_space<semaphore_mem>>) src(%dma_wait3A_144 : memref<2000xi32, #tpu.memory_space<hbm>>) dst(%arg11 : memref<2000xi32, #tpu.memory_space<vmem>>)
    %dma_wait3A_145 = tpu.memref_slice %arg4[%multiple_of3A_136] : memref<160000xi32, #tpu.memory_space<hbm>> -> memref<2000xi32, #tpu.memory_space<hbm>>
    %dma_wait3A_146 = tpu.memref_slice %arg4[%multiple_of3A_136] : memref<160000xi32, #tpu.memory_space<hbm>> -> memref<2000xi32, #tpu.memory_space<hbm>>
    tpu.wait_dma2 semaphore(%arg20 : memref<!tpu.dma_semaphore, #tpu.memory_space<semaphore_mem>>) src(%dma_wait3A_146 : memref<2000xi32, #tpu.memory_space<hbm>>) dst(%arg12 : memref<2000xi32, #tpu.memory_space<vmem>>)
    %dma_wait3A_147 = tpu.memref_slice %arg5[%multiple_of3A_136] : memref<160000xi32, #tpu.memory_space<hbm>> -> memref<2000xi32, #tpu.memory_space<hbm>>
    %dma_wait3A_148 = tpu.memref_slice %arg5[%multiple_of3A_136] : memref<160000xi32, #tpu.memory_space<hbm>> -> memref<2000xi32, #tpu.memory_space<hbm>>
    tpu.wait_dma2 semaphore(%arg21 : memref<!tpu.dma_semaphore, #tpu.memory_space<semaphore_mem>>) src(%dma_wait3A_148 : memref<2000xi32, #tpu.memory_space<hbm>>) dst(%arg13 : memref<2000xi32, #tpu.memory_space<vmem>>)
    %scan3A_149 = arith.constant 0 : i32
    %scan3A_150 = arith.constant 125 : i32
    %scan3A_151 = arith.addi %scan3A_149, %scan3A_150 : i32
    %scan3A_152 = arith.constant 1 : i32
    %scan3A_153 = scf.for %scan3A_259 = %scan3A_149 to %scan3A_151 step %scan3A_152 iter_args(%scan3A_260 = %scan3A_132) -> (i32)  : i32 {
      %mul3A_261 = arith.constant 16 : i32
      %mul3A_262 = arith.muli %scan3A_259, %mul3A_261 : i32
      %multiple_of3A_263 = tpu.assume_multiple %mul3A_262, 16 : i32
      %get3A_264 = arith.index_cast %multiple_of3A_263 : i32 to index
      %get3A_265 = tpu.vector_load %arg11[%get3A_264] {strides = array<i32>} : memref<2000xi32, #tpu.memory_space<vmem>>, vector<16xi32>,
      %get3A_266 = arith.index_cast %multiple_of3A_263 : i32 to index
      %get3A_267 = tpu.vector_load %arg12[%get3A_266] {strides = array<i32>} : memref<2000xi32, #tpu.memory_space<vmem>>, vector<16xi32>,
      %get3A_268 = arith.index_cast %multiple_of3A_263 : i32 to index
      %get3A_269 = tpu.vector_load %arg13[%get3A_268] {strides = array<i32>} : memref<2000xi32, #tpu.memory_space<vmem>>, vector<16xi32>,
      %gather3A = tpu.vector_load_idx %arg10[%get3A_265] : memref<10000xi32, #tpu.memory_space<vmem>>[vector<16xi32>], vector<16xi32>,
      %gather3A_270 = tpu.vector_load_idx %arg10[%get3A_267] : memref<10000xi32, #tpu.memory_space<vmem>>[vector<16xi32>], vector<16xi32>,
      %eq3A = arith.cmpi eq, %gather3A, %get3A_68 : vector<16xi32>
      %eq3A_271 = arith.cmpi eq, %gather3A_270, %sub3A_70 : vector<16xi32>
      %and3A = arith.andi %eq3A, %eq3A_271 : vector<16xi1>
      %convert_element_type3A = arith.extui %and3A : vector<16xi1> to vector<16xi32>
      %mul3A_272 = arith.constant 10000 : i32
      %mul3A_273 = vector.broadcast %mul3A_272 : i32 to vector<16xi32>
      %mul3A_274 = arith.muli %get3A_269, %mul3A_273 : vector<16xi32>
      %add3A_275 = arith.addi %mul3A_274, %get3A_265 : vector<16xi32>
      %shift_left3A = arith.constant 14 : i32
      %shift_left3A_276 = vector.broadcast %shift_left3A : i32 to vector<16xi32>
      %shift_left3A_277 = arith.shli %add3A_275, %shift_left3A_276 : vector<16xi32>
      %or3A = arith.ori %shift_left3A_277, %get3A_267 : vector<16xi32>
      %broadcast_in_dim3A_278 = arith.constant true
      %broadcast_in_dim3A_279 = vector.broadcast %broadcast_in_dim3A_278 : i1 to vector<16xi1>
      %masked_cumsum3A = tpu.scan <sum>, %convert_element_type3A masked %broadcast_in_dim3A_279 : vector<16xi32>, vector<16xi1> -> vector<16xi32>
      %add3A_280 = vector.broadcast %scan3A_260 : i32 to vector<16xi32>
      %add3A_281 = arith.addi %add3A_280, %masked_cumsum3A : vector<16xi32>
      %sub3A_282 = arith.subi %add3A_281, %convert_element_type3A : vector<16xi32>
      tpu.vector_store_idx %arg14[%sub3A_282], %or3A masked %and3A : memref<10256xi32, #tpu.memory_space<vmem>>[vector<16xi32>], vector<16xi32>, vector<16xi1>
      %reduce_sum3A = arith.constant true
      %reduce_sum3A_283 = vector.broadcast %reduce_sum3A : i1 to vector<16xi1>
      %reduce_sum3A_284 = tpu.scan <sum>, %convert_element_type3A masked %reduce_sum3A_283 : vector<16xi32>, vector<16xi1> -> vector<16xi32>
      %reduce_sum3A_285 = vector.extract %reduce_sum3A_284[15] : i32 from vector<16xi32>
      %add3A_286 = arith.addi %scan3A_260, %reduce_sum3A_285 : i32
      scf.yield %add3A_286 : i32
    }
    %scan3A_154 = arith.constant 125 : i32
    %add3A_155 = arith.constant 8000 : i32
    %add3A_156 = arith.addi %multiple_of3A, %add3A_155 : i32
    %multiple_of3A_157 = tpu.assume_multiple %add3A_156, 2000 : i32
    %dma_start3A_158 = tpu.memref_slice %arg3[%multiple_of3A_157] : memref<160000xi32, #tpu.memory_space<hbm>> -> memref<2000xi32, #tpu.memory_space<hbm>>
    %dma_start3A_159 = tpu.memref_slice %arg3[%multiple_of3A_157] : memref<160000xi32, #tpu.memory_space<hbm>> -> memref<2000xi32, #tpu.memory_space<hbm>>
    tpu.enqueue_dma source(%dma_start3A_159 : memref<2000xi32, #tpu.memory_space<hbm>>) target(%arg11 : memref<2000xi32, #tpu.memory_space<vmem>>) target_semaphore(%arg19 : memref<!tpu.dma_semaphore, #tpu.memory_space<semaphore_mem>>)
    %dma_start3A_160 = tpu.memref_slice %arg4[%multiple_of3A_157] : memref<160000xi32, #tpu.memory_space<hbm>> -> memref<2000xi32, #tpu.memory_space<hbm>>
    %dma_start3A_161 = tpu.memref_slice %arg4[%multiple_of3A_157] : memref<160000xi32, #tpu.memory_space<hbm>> -> memref<2000xi32, #tpu.memory_space<hbm>>
    tpu.enqueue_dma source(%dma_start3A_161 : memref<2000xi32, #tpu.memory_space<hbm>>) target(%arg12 : memref<2000xi32, #tpu.memory_space<vmem>>) target_semaphore(%arg20 : memref<!tpu.dma_semaphore, #tpu.memory_space<semaphore_mem>>)
    %dma_start3A_162 = tpu.memref_slice %arg5[%multiple_of3A_157] : memref<160000xi32, #tpu.memory_space<hbm>> -> memref<2000xi32, #tpu.memory_space<hbm>>
    %dma_start3A_163 = tpu.memref_slice %arg5[%multiple_of3A_157] : memref<160000xi32, #tpu.memory_space<hbm>> -> memref<2000xi32, #tpu.memory_space<hbm>>
    tpu.enqueue_dma source(%dma_start3A_163 : memref<2000xi32, #tpu.memory_space<hbm>>) target(%arg13 : memref<2000xi32, #tpu.memory_space<vmem>>) target_semaphore(%arg21 : memref<!tpu.dma_semaphore, #tpu.memory_space<semaphore_mem>>)
    %dma_wait3A_164 = tpu.memref_slice %arg3[%multiple_of3A_157] : memref<160000xi32, #tpu.memory_space<hbm>> -> memref<2000xi32, #tpu.memory_space<hbm>>
    %dma_wait3A_165 = tpu.memref_slice %arg3[%multiple_of3A_157] : memref<160000xi32, #tpu.memory_space<hbm>> -> memref<2000xi32, #tpu.memory_space<hbm>>
    tpu.wait_dma2 semaphore(%arg19 : memref<!tpu.dma_semaphore, #tpu.memory_space<semaphore_mem>>) src(%dma_wait3A_165 : memref<2000xi32, #tpu.memory_space<hbm>>) dst(%arg11 : memref<2000xi32, #tpu.memory_space<vmem>>)
    %dma_wait3A_166 = tpu.memref_slice %arg4[%multiple_of3A_157] : memref<160000xi32, #tpu.memory_space<hbm>> -> memref<2000xi32, #tpu.memory_space<hbm>>
    %dma_wait3A_167 = tpu.memref_slice %arg4[%multiple_of3A_157] : memref<160000xi32, #tpu.memory_space<hbm>> -> memref<2000xi32, #tpu.memory_space<hbm>>
    tpu.wait_dma2 semaphore(%arg20 : memref<!tpu.dma_semaphore, #tpu.memory_space<semaphore_mem>>) src(%dma_wait3A_167 : memref<2000xi32, #tpu.memory_space<hbm>>) dst(%arg12 : memref<2000xi32, #tpu.memory_space<vmem>>)
    %dma_wait3A_168 = tpu.memref_slice %arg5[%multiple_of3A_157] : memref<160000xi32, #tpu.memory_space<hbm>> -> memref<2000xi32, #tpu.memory_space<hbm>>
    %dma_wait3A_169 = tpu.memref_slice %arg5[%multiple_of3A_157] : memref<160000xi32, #tpu.memory_space<hbm>> -> memref<2000xi32, #tpu.memory_space<hbm>>
    tpu.wait_dma2 semaphore(%arg21 : memref<!tpu.dma_semaphore, #tpu.memory_space<semaphore_mem>>) src(%dma_wait3A_169 : memref<2000xi32, #tpu.memory_space<hbm>>) dst(%arg13 : memref<2000xi32, #tpu.memory_space<vmem>>)
    %scan3A_170 = arith.constant 0 : i32
    %scan3A_171 = arith.constant 125 : i32
    %scan3A_172 = arith.addi %scan3A_170, %scan3A_171 : i32
    %scan3A_173 = arith.constant 1 : i32
    %scan3A_174 = scf.for %scan3A_259 = %scan3A_170 to %scan3A_172 step %scan3A_173 iter_args(%scan3A_260 = %scan3A_153) -> (i32)  : i32 {
      %mul3A_261 = arith.constant 16 : i32
      %mul3A_262 = arith.muli %scan3A_259, %mul3A_261 : i32
      %multiple_of3A_263 = tpu.assume_multiple %mul3A_262, 16 : i32
      %get3A_264 = arith.index_cast %multiple_of3A_263 : i32 to index
      %get3A_265 = tpu.vector_load %arg11[%get3A_264] {strides = array<i32>} : memref<2000xi32, #tpu.memory_space<vmem>>, vector<16xi32>,
      %get3A_266 = arith.index_cast %multiple_of3A_263 : i32 to index
      %get3A_267 = tpu.vector_load %arg12[%get3A_266] {strides = array<i32>} : memref<2000xi32, #tpu.memory_space<vmem>>, vector<16xi32>,
      %get3A_268 = arith.index_cast %multiple_of3A_263 : i32 to index
      %get3A_269 = tpu.vector_load %arg13[%get3A_268] {strides = array<i32>} : memref<2000xi32, #tpu.memory_space<vmem>>, vector<16xi32>,
      %gather3A = tpu.vector_load_idx %arg10[%get3A_265] : memref<10000xi32, #tpu.memory_space<vmem>>[vector<16xi32>], vector<16xi32>,
      %gather3A_270 = tpu.vector_load_idx %arg10[%get3A_267] : memref<10000xi32, #tpu.memory_space<vmem>>[vector<16xi32>], vector<16xi32>,
      %eq3A = arith.cmpi eq, %gather3A, %get3A_68 : vector<16xi32>
      %eq3A_271 = arith.cmpi eq, %gather3A_270, %sub3A_70 : vector<16xi32>
      %and3A = arith.andi %eq3A, %eq3A_271 : vector<16xi1>
      %convert_element_type3A = arith.extui %and3A : vector<16xi1> to vector<16xi32>
      %mul3A_272 = arith.constant 10000 : i32
      %mul3A_273 = vector.broadcast %mul3A_272 : i32 to vector<16xi32>
      %mul3A_274 = arith.muli %get3A_269, %mul3A_273 : vector<16xi32>
      %add3A_275 = arith.addi %mul3A_274, %get3A_265 : vector<16xi32>
      %shift_left3A = arith.constant 14 : i32
      %shift_left3A_276 = vector.broadcast %shift_left3A : i32 to vector<16xi32>
      %shift_left3A_277 = arith.shli %add3A_275, %shift_left3A_276 : vector<16xi32>
      %or3A = arith.ori %shift_left3A_277, %get3A_267 : vector<16xi32>
      %broadcast_in_dim3A_278 = arith.constant true
      %broadcast_in_dim3A_279 = vector.broadcast %broadcast_in_dim3A_278 : i1 to vector<16xi1>
      %masked_cumsum3A = tpu.scan <sum>, %convert_element_type3A masked %broadcast_in_dim3A_279 : vector<16xi32>, vector<16xi1> -> vector<16xi32>
      %add3A_280 = vector.broadcast %scan3A_260 : i32 to vector<16xi32>
      %add3A_281 = arith.addi %add3A_280, %masked_cumsum3A : vector<16xi32>
      %sub3A_282 = arith.subi %add3A_281, %convert_element_type3A : vector<16xi32>
      tpu.vector_store_idx %arg14[%sub3A_282], %or3A masked %and3A : memref<10256xi32, #tpu.memory_space<vmem>>[vector<16xi32>], vector<16xi32>, vector<16xi1>
      %reduce_sum3A = arith.constant true
      %reduce_sum3A_283 = vector.broadcast %reduce_sum3A : i1 to vector<16xi1>
      %reduce_sum3A_284 = tpu.scan <sum>, %convert_element_type3A masked %reduce_sum3A_283 : vector<16xi32>, vector<16xi1> -> vector<16xi32>
      %reduce_sum3A_285 = vector.extract %reduce_sum3A_284[15] : i32 from vector<16xi32>
      %add3A_286 = arith.addi %scan3A_260, %reduce_sum3A_285 : i32
      scf.yield %add3A_286 : i32
    }
    %scan3A_175 = arith.constant 125 : i32
    %broadcast_in_dim3A_176 = arith.constant 10000 : i32
    %broadcast_in_dim3A_177 = vector.broadcast %broadcast_in_dim3A_176 : i32 to vector<16xi32>
    %scan3A_178 = arith.constant 0 : i32
    %scan3A_179 = arith.constant 0 : i32
    %scan3A_180 = arith.constant 8 : i32
    %scan3A_181 = arith.addi %scan3A_179, %scan3A_180 : i32
    %scan3A_182 = arith.constant 1 : i32
    scf.for %scan3A_259 = %scan3A_179 to %scan3A_181 step %scan3A_182  : i32 {
      %mul3A_260 = arith.constant 16 : i32
      %mul3A_261 = arith.muli %scan3A_259, %mul3A_260 : i32
      %add3A_262 = arith.addi %scan3A_174, %mul3A_261 : i32
      %add3A_263 = vector.broadcast %add3A_262 : i32 to vector<16xi32>
      %add3A_264 = arith.addi %add3A_263, %iota3A : vector<16xi32>
      tpu.vector_store_idx %arg14[%add3A_264], %broadcast_in_dim3A_177 : memref<10256xi32, #tpu.memory_space<vmem>>[vector<16xi32>], vector<16xi32>,
    }
    %scan3A_183 = arith.constant 8 : i32
    %add3A_184 = arith.constant 0 : i32
    %add3A_185 = arith.addi %multiple_of3A_9, %add3A_184 : i32
    %dma_wait3A_186 = arith.constant 0 : i32
    %dma_wait3A_187 = arith.constant 0 : i32
    %dma_wait3A_188 = tpu.memref_slice %arg17[%dma_wait3A_186, %dma_wait3A_187] : memref<128x128xf32, #tpu.memory_space<vmem>> -> memref<128x128xf32, #tpu.memory_space<vmem>>
    %dma_wait3A_189 = arith.constant 0 : i32
    %dma_wait3A_190 = tpu.memref_slice %arg18[%add3A_185, %dma_wait3A_189] : memref<10112x128xf32, #tpu.memory_space<vmem_shared>> -> memref<128x128xf32, #tpu.memory_space<vmem_shared>>
    %dma_wait3A_191 = arith.constant 0 : i32
    %dma_wait3A_192 = tpu.memref_slice %arg18[%add3A_185, %dma_wait3A_191] : memref<10112x128xf32, #tpu.memory_space<vmem_shared>> -> memref<128x128xf32, #tpu.memory_space<vmem_shared>>
    %dma_wait3A_193 = arith.constant 0 : i32
    %dma_wait3A_194 = arith.constant 0 : i32
    %dma_wait3A_195 = tpu.memref_slice %arg17[%dma_wait3A_193, %dma_wait3A_194] : memref<128x128xf32, #tpu.memory_space<vmem>> -> memref<128x128xf32, #tpu.memory_space<vmem>>
    tpu.wait_dma2 semaphore(%arg22 : memref<!tpu.dma_semaphore, #tpu.memory_space<semaphore_mem>>) src(%dma_wait3A_195 : memref<128x128xf32, #tpu.memory_space<vmem>>) dst(%dma_wait3A_192 : memref<128x128xf32, #tpu.memory_space<vmem_shared>>)
    %add3A_196 = arith.constant 128 : i32
    %add3A_197 = arith.addi %multiple_of3A_9, %add3A_196 : i32
    %dma_wait3A_198 = arith.constant 0 : i32
    %dma_wait3A_199 = arith.constant 0 : i32
    %dma_wait3A_200 = tpu.memref_slice %arg17[%dma_wait3A_198, %dma_wait3A_199] : memref<128x128xf32, #tpu.memory_space<vmem>> -> memref<128x128xf32, #tpu.memory_space<vmem>>
    %dma_wait3A_201 = arith.constant 0 : i32
    %dma_wait3A_202 = tpu.memref_slice %arg18[%add3A_197, %dma_wait3A_201] : memref<10112x128xf32, #tpu.memory_space<vmem_shared>> -> memref<128x128xf32, #tpu.memory_space<vmem_shared>>
    %dma_wait3A_203 = arith.constant 0 : i32
    %dma_wait3A_204 = tpu.memref_slice %arg18[%add3A_197, %dma_wait3A_203] : memref<10112x128xf32, #tpu.memory_space<vmem_shared>> -> memref<128x128xf32, #tpu.memory_space<vmem_shared>>
    %dma_wait3A_205 = arith.constant 0 : i32
    %dma_wait3A_206 = arith.constant 0 : i32
    %dma_wait3A_207 = tpu.memref_slice %arg17[%dma_wait3A_205, %dma_wait3A_206] : memref<128x128xf32, #tpu.memory_space<vmem>> -> memref<128x128xf32, #tpu.memory_space<vmem>>
    tpu.wait_dma2 semaphore(%arg22 : memref<!tpu.dma_semaphore, #tpu.memory_space<semaphore_mem>>) src(%dma_wait3A_207 : memref<128x128xf32, #tpu.memory_space<vmem>>) dst(%dma_wait3A_204 : memref<128x128xf32, #tpu.memory_space<vmem_shared>>)
    %add3A_208 = arith.constant 256 : i32
    %add3A_209 = arith.addi %multiple_of3A_9, %add3A_208 : i32
    %dma_wait3A_210 = arith.constant 0 : i32
    %dma_wait3A_211 = arith.constant 0 : i32
    %dma_wait3A_212 = tpu.memref_slice %arg17[%dma_wait3A_210, %dma_wait3A_211] : memref<128x128xf32, #tpu.memory_space<vmem>> -> memref<128x128xf32, #tpu.memory_space<vmem>>
    %dma_wait3A_213 = arith.constant 0 : i32
    %dma_wait3A_214 = tpu.memref_slice %arg18[%add3A_209, %dma_wait3A_213] : memref<10112x128xf32, #tpu.memory_space<vmem_shared>> -> memref<128x128xf32, #tpu.memory_space<vmem_shared>>
    %dma_wait3A_215 = arith.constant 0 : i32
    %dma_wait3A_216 = tpu.memref_slice %arg18[%add3A_209, %dma_wait3A_215] : memref<10112x128xf32, #tpu.memory_space<vmem_shared>> -> memref<128x128xf32, #tpu.memory_space<vmem_shared>>
    %dma_wait3A_217 = arith.constant 0 : i32
    %dma_wait3A_218 = arith.constant 0 : i32
    %dma_wait3A_219 = tpu.memref_slice %arg17[%dma_wait3A_217, %dma_wait3A_218] : memref<128x128xf32, #tpu.memory_space<vmem>> -> memref<128x128xf32, #tpu.memory_space<vmem>>
    tpu.wait_dma2 semaphore(%arg22 : memref<!tpu.dma_semaphore, #tpu.memory_space<semaphore_mem>>) src(%dma_wait3A_219 : memref<128x128xf32, #tpu.memory_space<vmem>>) dst(%dma_wait3A_216 : memref<128x128xf32, #tpu.memory_space<vmem_shared>>)
    %add3A_220 = arith.constant 384 : i32
    %add3A_221 = arith.addi %multiple_of3A_9, %add3A_220 : i32
    %dma_wait3A_222 = arith.constant 0 : i32
    %dma_wait3A_223 = arith.constant 0 : i32
    %dma_wait3A_224 = tpu.memref_slice %arg17[%dma_wait3A_222, %dma_wait3A_223] : memref<128x128xf32, #tpu.memory_space<vmem>> -> memref<128x128xf32, #tpu.memory_space<vmem>>
    %dma_wait3A_225 = arith.constant 0 : i32
    %dma_wait3A_226 = tpu.memref_slice %arg18[%add3A_221, %dma_wait3A_225] : memref<10112x128xf32, #tpu.memory_space<vmem_shared>> -> memref<128x128xf32, #tpu.memory_space<vmem_shared>>
    %dma_wait3A_227 = arith.constant 0 : i32
    %dma_wait3A_228 = tpu.memref_slice %arg18[%add3A_221, %dma_wait3A_227] : memref<10112x128xf32, #tpu.memory_space<vmem_shared>> -> memref<128x128xf32, #tpu.memory_space<vmem_shared>>
    %dma_wait3A_229 = arith.constant 0 : i32
    %dma_wait3A_230 = arith.constant 0 : i32
    %dma_wait3A_231 = tpu.memref_slice %arg17[%dma_wait3A_229, %dma_wait3A_230] : memref<128x128xf32, #tpu.memory_space<vmem>> -> memref<128x128xf32, #tpu.memory_space<vmem>>
    tpu.wait_dma2 semaphore(%arg22 : memref<!tpu.dma_semaphore, #tpu.memory_space<semaphore_mem>>) src(%dma_wait3A_231 : memref<128x128xf32, #tpu.memory_space<vmem>>) dst(%dma_wait3A_228 : memref<128x128xf32, #tpu.memory_space<vmem_shared>>)
    %add3A_232 = arith.constant 512 : i32
    %add3A_233 = arith.addi %multiple_of3A_9, %add3A_232 : i32
    %dma_wait3A_234 = arith.constant 0 : i32
    %dma_wait3A_235 = arith.constant 0 : i32
    %dma_wait3A_236 = tpu.memref_slice %arg17[%dma_wait3A_234, %dma_wait3A_235] : memref<128x128xf32, #tpu.memory_space<vmem>> -> memref<120x128xf32, #tpu.memory_space<vmem>>
    %dma_wait3A_237 = arith.constant 0 : i32
    %dma_wait3A_238 = tpu.memref_slice %arg18[%add3A_233, %dma_wait3A_237] : memref<10112x128xf32, #tpu.memory_space<vmem_shared>> -> memref<120x128xf32, #tpu.memory_space<vmem_shared>>
    %dma_wait3A_239 = arith.constant 0 : i32
    %dma_wait3A_240 = tpu.memref_slice %arg18[%add3A_233, %dma_wait3A_239] : memref<10112x128xf32, #tpu.memory_space<vmem_shared>> -> memref<120x128xf32, #tpu.memory_space<vmem_shared>>
    %dma_wait3A_241 = arith.constant 0 : i32
    %dma_wait3A_242 = arith.constant 0 : i32
    %dma_wait3A_243 = tpu.memref_slice %arg17[%dma_wait3A_241, %dma_wait3A_242] : memref<128x128xf32, #tpu.memory_space<vmem>> -> memref<120x128xf32, #tpu.memory_space<vmem>>
    tpu.wait_dma2 semaphore(%arg22 : memref<!tpu.dma_semaphore, #tpu.memory_space<semaphore_mem>>) src(%dma_wait3A_243 : memref<120x128xf32, #tpu.memory_space<vmem>>) dst(%dma_wait3A_240 : memref<120x128xf32, #tpu.memory_space<vmem_shared>>)
    %barrier3A = arith.constant 0 : index
    tpu.barrier barrier_id(%barrier3A)
    %mul3A_244 = arith.constant 80000 : i32
    %mul3A_245 = arith.muli %arg0, %mul3A_244 : i32
    %add3A_246 = arith.constant 127 : i32
    %add3A_247 = arith.addi %scan3A_174, %add3A_246 : i32
    %div3A = arith.constant 128 : i32
    %div3A_248 = arith.divsi %add3A_247, %div3A : i32
    %while3A = arith.constant 0 : i32
    %while3A_249 = arith.constant 0 : i32
    %while3A_250 = arith.subi %div3A_248, %while3A_249 : i32
    %while3A_251 = arith.addi %while3A_249, %while3A_250 : i32
    %while3A_252 = arith.constant 1 : i32
    %while3A_253 = arith.divsi %while3A_250, %while3A_252 : i32
    %while3A_254 = arith.muli %while3A_253, %while3A_252 : i32
    %while3A_255 = arith.addi %while3A_249, %while3A_254 : i32
    %while3A_256 = arith.constant 1 : i32
    scf.for %while3A_259 = %while3A_249 to %while3A_255 step %while3A_256  : i32 {
      %mul3A_260 = arith.constant 128 : i32
      %mul3A_261 = arith.muli %while3A_259, %mul3A_260 : i32
      %add3A_262 = arith.constant 0 : i32
      %add3A_263 = arith.addi %mul3A_261, %add3A_262 : i32
      %add3A_264 = vector.broadcast %add3A_263 : i32 to vector<16xi32>
      %add3A_265 = arith.addi %add3A_264, %iota3A : vector<16xi32>
      %gather3A = tpu.vector_load_idx %arg14[%add3A_265] : memref<10256xi32, #tpu.memory_space<vmem>>[vector<16xi32>], vector<16xi32>,
      %shift_right_logical3A = arith.constant 14 : i32
      %shift_right_logical3A_266 = vector.broadcast %shift_right_logical3A : i32 to vector<16xi32>
      %shift_right_logical3A_267 = arith.shrui %gather3A, %shift_right_logical3A_266 : vector<16xi32>
      %add3A_268 = vector.broadcast %mul3A_245 : i32 to vector<16xi32>
      %add3A_269 = arith.addi %shift_right_logical3A_267, %add3A_268 : vector<16xi32>
      %swap3A = arith.constant 0 : index
      %swap3A_270 = tpu.vector_load %arg15[%swap3A] {strides = array<i32>} : memref<128xi32, #tpu.memory_space<vmem>>, vector<16xi32>,
      tpu.vector_store %arg15[%swap3A], %add3A_269 {strides = array<i32>} : memref<128xi32, #tpu.memory_space<vmem>>, vector<16xi32>,
      %and3A = arith.constant 16383 : i32
      %and3A_271 = vector.broadcast %and3A : i32 to vector<16xi32>
      %and3A_272 = arith.andi %gather3A, %and3A_271 : vector<16xi32>
      %swap3A_273 = arith.constant 0 : index
      %swap3A_274 = tpu.vector_load %arg16[%swap3A_273] {strides = array<i32>} : memref<128xi32, #tpu.memory_space<vmem>>, vector<16xi32>,
      tpu.vector_store %arg16[%swap3A_273], %and3A_272 {strides = array<i32>} : memref<128xi32, #tpu.memory_space<vmem>>, vector<16xi32>,
      %add3A_275 = arith.constant 16 : i32
      %add3A_276 = arith.addi %mul3A_261, %add3A_275 : i32
      %add3A_277 = vector.broadcast %add3A_276 : i32 to vector<16xi32>
      %add3A_278 = arith.addi %add3A_277, %iota3A : vector<16xi32>
      %gather3A_279 = tpu.vector_load_idx %arg14[%add3A_278] : memref<10256xi32, #tpu.memory_space<vmem>>[vector<16xi32>], vector<16xi32>,
      %shift_right_logical3A_280 = arith.constant 14 : i32
      %shift_right_logical3A_281 = vector.broadcast %shift_right_logical3A_280 : i32 to vector<16xi32>
      %shift_right_logical3A_282 = arith.shrui %gather3A_279, %shift_right_logical3A_281 : vector<16xi32>
      %add3A_283 = vector.broadcast %mul3A_245 : i32 to vector<16xi32>
      %add3A_284 = arith.addi %shift_right_logical3A_282, %add3A_283 : vector<16xi32>
      %swap3A_285 = arith.constant 16 : index
      %swap3A_286 = tpu.vector_load %arg15[%swap3A_285] {strides = array<i32>} : memref<128xi32, #tpu.memory_space<vmem>>, vector<16xi32>,
      tpu.vector_store %arg15[%swap3A_285], %add3A_284 {strides = array<i32>} : memref<128xi32, #tpu.memory_space<vmem>>, vector<16xi32>,
      %and3A_287 = arith.constant 16383 : i32
      %and3A_288 = vector.broadcast %and3A_287 : i32 to vector<16xi32>
      %and3A_289 = arith.andi %gather3A_279, %and3A_288 : vector<16xi32>
      %swap3A_290 = arith.constant 16 : index
      %swap3A_291 = tpu.vector_load %arg16[%swap3A_290] {strides = array<i32>} : memref<128xi32, #tpu.memory_space<vmem>>, vector<16xi32>,
      tpu.vector_store %arg16[%swap3A_290], %and3A_289 {strides = array<i32>} : memref<128xi32, #tpu.memory_space<vmem>>, vector<16xi32>,
      %add3A_292 = arith.constant 32 : i32
      %add3A_293 = arith.addi %mul3A_261, %add3A_292 : i32
      %add3A_294 = vector.broadcast %add3A_293 : i32 to vector<16xi32>
      %add3A_295 = arith.addi %add3A_294, %iota3A : vector<16xi32>
      %gather3A_296 = tpu.vector_load_idx %arg14[%add3A_295] : memref<10256xi32, #tpu.memory_space<vmem>>[vector<16xi32>], vector<16xi32>,
      %shift_right_logical3A_297 = arith.constant 14 : i32
      %shift_right_logical3A_298 = vector.broadcast %shift_right_logical3A_297 : i32 to vector<16xi32>
      %shift_right_logical3A_299 = arith.shrui %gather3A_296, %shift_right_logical3A_298 : vector<16xi32>
      %add3A_300 = vector.broadcast %mul3A_245 : i32 to vector<16xi32>
      %add3A_301 = arith.addi %shift_right_logical3A_299, %add3A_300 : vector<16xi32>
      %swap3A_302 = arith.constant 32 : index
      %swap3A_303 = tpu.vector_load %arg15[%swap3A_302] {strides = array<i32>} : memref<128xi32, #tpu.memory_space<vmem>>, vector<16xi32>,
      tpu.vector_store %arg15[%swap3A_302], %add3A_301 {strides = array<i32>} : memref<128xi32, #tpu.memory_space<vmem>>, vector<16xi32>,
      %and3A_304 = arith.constant 16383 : i32
      %and3A_305 = vector.broadcast %and3A_304 : i32 to vector<16xi32>
      %and3A_306 = arith.andi %gather3A_296, %and3A_305 : vector<16xi32>
      %swap3A_307 = arith.constant 32 : index
      %swap3A_308 = tpu.vector_load %arg16[%swap3A_307] {strides = array<i32>} : memref<128xi32, #tpu.memory_space<vmem>>, vector<16xi32>,
      tpu.vector_store %arg16[%swap3A_307], %and3A_306 {strides = array<i32>} : memref<128xi32, #tpu.memory_space<vmem>>, vector<16xi32>,
      %add3A_309 = arith.constant 48 : i32
      %add3A_310 = arith.addi %mul3A_261, %add3A_309 : i32
      %add3A_311 = vector.broadcast %add3A_310 : i32 to vector<16xi32>
      %add3A_312 = arith.addi %add3A_311, %iota3A : vector<16xi32>
      %gather3A_313 = tpu.vector_load_idx %arg14[%add3A_312] : memref<10256xi32, #tpu.memory_space<vmem>>[vector<16xi32>], vector<16xi32>,
      %shift_right_logical3A_314 = arith.constant 14 : i32
      %shift_right_logical3A_315 = vector.broadcast %shift_right_logical3A_314 : i32 to vector<16xi32>
      %shift_right_logical3A_316 = arith.shrui %gather3A_313, %shift_right_logical3A_315 : vector<16xi32>
      %add3A_317 = vector.broadcast %mul3A_245 : i32 to vector<16xi32>
      %add3A_318 = arith.addi %shift_right_logical3A_316, %add3A_317 : vector<16xi32>
      %swap3A_319 = arith.constant 48 : index
      %swap3A_320 = tpu.vector_load %arg15[%swap3A_319] {strides = array<i32>} : memref<128xi32, #tpu.memory_space<vmem>>, vector<16xi32>,
      tpu.vector_store %arg15[%swap3A_319], %add3A_318 {strides = array<i32>} : memref<128xi32, #tpu.memory_space<vmem>>, vector<16xi32>,
      %and3A_321 = arith.constant 16383 : i32
      %and3A_322 = vector.broadcast %and3A_321 : i32 to vector<16xi32>
      %and3A_323 = arith.andi %gather3A_313, %and3A_322 : vector<16xi32>
      %swap3A_324 = arith.constant 48 : index
      %swap3A_325 = tpu.vector_load %arg16[%swap3A_324] {strides = array<i32>} : memref<128xi32, #tpu.memory_space<vmem>>, vector<16xi32>,
      tpu.vector_store %arg16[%swap3A_324], %and3A_323 {strides = array<i32>} : memref<128xi32, #tpu.memory_space<vmem>>, vector<16xi32>,
      %add3A_326 = arith.constant 64 : i32
      %add3A_327 = arith.addi %mul3A_261, %add3A_326 : i32
      %add3A_328 = vector.broadcast %add3A_327 : i32 to vector<16xi32>
      %add3A_329 = arith.addi %add3A_328, %iota3A : vector<16xi32>
      %gather3A_330 = tpu.vector_load_idx %arg14[%add3A_329] : memref<10256xi32, #tpu.memory_space<vmem>>[vector<16xi32>], vector<16xi32>,
      %shift_right_logical3A_331 = arith.constant 14 : i32
      %shift_right_logical3A_332 = vector.broadcast %shift_right_logical3A_331 : i32 to vector<16xi32>
      %shift_right_logical3A_333 = arith.shrui %gather3A_330, %shift_right_logical3A_332 : vector<16xi32>
      %add3A_334 = vector.broadcast %mul3A_245 : i32 to vector<16xi32>
      %add3A_335 = arith.addi %shift_right_logical3A_333, %add3A_334 : vector<16xi32>
      %swap3A_336 = arith.constant 64 : index
      %swap3A_337 = tpu.vector_load %arg15[%swap3A_336] {strides = array<i32>} : memref<128xi32, #tpu.memory_space<vmem>>, vector<16xi32>,
      tpu.vector_store %arg15[%swap3A_336], %add3A_335 {strides = array<i32>} : memref<128xi32, #tpu.memory_space<vmem>>, vector<16xi32>,
      %and3A_338 = arith.constant 16383 : i32
      %and3A_339 = vector.broadcast %and3A_338 : i32 to vector<16xi32>
      %and3A_340 = arith.andi %gather3A_330, %and3A_339 : vector<16xi32>
      %swap3A_341 = arith.constant 64 : index
      %swap3A_342 = tpu.vector_load %arg16[%swap3A_341] {strides = array<i32>} : memref<128xi32, #tpu.memory_space<vmem>>, vector<16xi32>,
      tpu.vector_store %arg16[%swap3A_341], %and3A_340 {strides = array<i32>} : memref<128xi32, #tpu.memory_space<vmem>>, vector<16xi32>,
      %add3A_343 = arith.constant 80 : i32
      %add3A_344 = arith.addi %mul3A_261, %add3A_343 : i32
      %add3A_345 = vector.broadcast %add3A_344 : i32 to vector<16xi32>
      %add3A_346 = arith.addi %add3A_345, %iota3A : vector<16xi32>
      %gather3A_347 = tpu.vector_load_idx %arg14[%add3A_346] : memref<10256xi32, #tpu.memory_space<vmem>>[vector<16xi32>], vector<16xi32>,
      %shift_right_logical3A_348 = arith.constant 14 : i32
      %shift_right_logical3A_349 = vector.broadcast %shift_right_logical3A_348 : i32 to vector<16xi32>
      %shift_right_logical3A_350 = arith.shrui %gather3A_347, %shift_right_logical3A_349 : vector<16xi32>
      %add3A_351 = vector.broadcast %mul3A_245 : i32 to vector<16xi32>
      %add3A_352 = arith.addi %shift_right_logical3A_350, %add3A_351 : vector<16xi32>
      %swap3A_353 = arith.constant 80 : index
      %swap3A_354 = tpu.vector_load %arg15[%swap3A_353] {strides = array<i32>} : memref<128xi32, #tpu.memory_space<vmem>>, vector<16xi32>,
      tpu.vector_store %arg15[%swap3A_353], %add3A_352 {strides = array<i32>} : memref<128xi32, #tpu.memory_space<vmem>>, vector<16xi32>,
      %and3A_355 = arith.constant 16383 : i32
      %and3A_356 = vector.broadcast %and3A_355 : i32 to vector<16xi32>
      %and3A_357 = arith.andi %gather3A_347, %and3A_356 : vector<16xi32>
      %swap3A_358 = arith.constant 80 : index
      %swap3A_359 = tpu.vector_load %arg16[%swap3A_358] {strides = array<i32>} : memref<128xi32, #tpu.memory_space<vmem>>, vector<16xi32>,
      tpu.vector_store %arg16[%swap3A_358], %and3A_357 {strides = array<i32>} : memref<128xi32, #tpu.memory_space<vmem>>, vector<16xi32>,
      %add3A_360 = arith.constant 96 : i32
      %add3A_361 = arith.addi %mul3A_261, %add3A_360 : i32
      %add3A_362 = vector.broadcast %add3A_361 : i32 to vector<16xi32>
      %add3A_363 = arith.addi %add3A_362, %iota3A : vector<16xi32>
      %gather3A_364 = tpu.vector_load_idx %arg14[%add3A_363] : memref<10256xi32, #tpu.memory_space<vmem>>[vector<16xi32>], vector<16xi32>,
      %shift_right_logical3A_365 = arith.constant 14 : i32
      %shift_right_logical3A_366 = vector.broadcast %shift_right_logical3A_365 : i32 to vector<16xi32>
      %shift_right_logical3A_367 = arith.shrui %gather3A_364, %shift_right_logical3A_366 : vector<16xi32>
      %add3A_368 = vector.broadcast %mul3A_245 : i32 to vector<16xi32>
      %add3A_369 = arith.addi %shift_right_logical3A_367, %add3A_368 : vector<16xi32>
      %swap3A_370 = arith.constant 96 : index
      %swap3A_371 = tpu.vector_load %arg15[%swap3A_370] {strides = array<i32>} : memref<128xi32, #tpu.memory_space<vmem>>, vector<16xi32>,
      tpu.vector_store %arg15[%swap3A_370], %add3A_369 {strides = array<i32>} : memref<128xi32, #tpu.memory_space<vmem>>, vector<16xi32>,
      %and3A_372 = arith.constant 16383 : i32
      %and3A_373 = vector.broadcast %and3A_372 : i32 to vector<16xi32>
      %and3A_374 = arith.andi %gather3A_364, %and3A_373 : vector<16xi32>
      %swap3A_375 = arith.constant 96 : index
      %swap3A_376 = tpu.vector_load %arg16[%swap3A_375] {strides = array<i32>} : memref<128xi32, #tpu.memory_space<vmem>>, vector<16xi32>,
      tpu.vector_store %arg16[%swap3A_375], %and3A_374 {strides = array<i32>} : memref<128xi32, #tpu.memory_space<vmem>>, vector<16xi32>,
      %add3A_377 = arith.constant 112 : i32
      %add3A_378 = arith.addi %mul3A_261, %add3A_377 : i32
      %add3A_379 = vector.broadcast %add3A_378 : i32 to vector<16xi32>
      %add3A_380 = arith.addi %add3A_379, %iota3A : vector<16xi32>
      %gather3A_381 = tpu.vector_load_idx %arg14[%add3A_380] : memref<10256xi32, #tpu.memory_space<vmem>>[vector<16xi32>], vector<16xi32>,
      %shift_right_logical3A_382 = arith.constant 14 : i32
      %shift_right_logical3A_383 = vector.broadcast %shift_right_logical3A_382 : i32 to vector<16xi32>
      %shift_right_logical3A_384 = arith.shrui %gather3A_381, %shift_right_logical3A_383 : vector<16xi32>
      %add3A_385 = vector.broadcast %mul3A_245 : i32 to vector<16xi32>
      %add3A_386 = arith.addi %shift_right_logical3A_384, %add3A_385 : vector<16xi32>
      %swap3A_387 = arith.constant 112 : index
      %swap3A_388 = tpu.vector_load %arg15[%swap3A_387] {strides = array<i32>} : memref<128xi32, #tpu.memory_space<vmem>>, vector<16xi32>,
      tpu.vector_store %arg15[%swap3A_387], %add3A_386 {strides = array<i32>} : memref<128xi32, #tpu.memory_space<vmem>>, vector<16xi32>,
      %and3A_389 = arith.constant 16383 : i32
      %and3A_390 = vector.broadcast %and3A_389 : i32 to vector<16xi32>
      %and3A_391 = arith.andi %gather3A_381, %and3A_390 : vector<16xi32>
      %swap3A_392 = arith.constant 112 : index
      %swap3A_393 = tpu.vector_load %arg16[%swap3A_392] {strides = array<i32>} : memref<128xi32, #tpu.memory_space<vmem>>, vector<16xi32>,
      tpu.vector_store %arg16[%swap3A_392], %and3A_391 {strides = array<i32>} : memref<128xi32, #tpu.memory_space<vmem>>, vector<16xi32>,
      %dma_start3A_394 = arith.constant 0 : i32
      %dma_start3A_395 = arith.constant 0 : i32
      %dma_start3A_396 = tpu.memref_slice %arg17[%dma_start3A_394, %dma_start3A_395] : memref<128x128xf32, #tpu.memory_space<vmem>> -> memref<32x128xf32, #tpu.memory_space<vmem>>
      %dma_start3A_397 = arith.constant 0 : i32
      %dma_start3A_398 = tpu.memref_slice %arg15[%dma_start3A_397] : memref<128xi32, #tpu.memory_space<vmem>> -> memref<32xi32, #tpu.memory_space<vmem>>
      %dma_start3A_399 = arith.constant 0 : i32
      %dma_start3A_400 = arith.constant 0 : i32
      %dma_start3A_401 = tpu.memref_slice %arg7[%dma_start3A_399, %dma_start3A_400] : memref<160000x128xf32, #tpu.memory_space<hbm>> -> memref<160000x128xf32, #tpu.memory_space<hbm>>
      tpu.enqueue_indirect_dma source(%dma_start3A_401 : memref<160000x128xf32, #tpu.memory_space<hbm>>) target(%dma_start3A_396 : memref<32x128xf32, #tpu.memory_space<vmem>>) offsets(%dma_start3A_398 : memref<32xi32, #tpu.memory_space<vmem>>) semaphore(%arg19 : memref<!tpu.dma_semaphore, #tpu.memory_space<semaphore_mem>>)
      %dma_start3A_402 = arith.constant 32 : i32
      %dma_start3A_403 = arith.constant 0 : i32
      %dma_start3A_404 = tpu.memref_slice %arg17[%dma_start3A_402, %dma_start3A_403] : memref<128x128xf32, #tpu.memory_space<vmem>> -> memref<32x128xf32, #tpu.memory_space<vmem>>
      %dma_start3A_405 = arith.constant 32 : i32
      %dma_start3A_406 = tpu.memref_slice %arg15[%dma_start3A_405] : memref<128xi32, #tpu.memory_space<vmem>> -> memref<32xi32, #tpu.memory_space<vmem>>
      %dma_start3A_407 = arith.constant 0 : i32
      %dma_start3A_408 = arith.constant 0 : i32
      %dma_start3A_409 = tpu.memref_slice %arg7[%dma_start3A_407, %dma_start3A_408] : memref<160000x128xf32, #tpu.memory_space<hbm>> -> memref<160000x128xf32, #tpu.memory_space<hbm>>
      tpu.enqueue_indirect_dma source(%dma_start3A_409 : memref<160000x128xf32, #tpu.memory_space<hbm>>) target(%dma_start3A_404 : memref<32x128xf32, #tpu.memory_space<vmem>>) offsets(%dma_start3A_406 : memref<32xi32, #tpu.memory_space<vmem>>) semaphore(%arg20 : memref<!tpu.dma_semaphore, #tpu.memory_space<semaphore_mem>>)
      %dma_start3A_410 = arith.constant 64 : i32
      %dma_start3A_411 = arith.constant 0 : i32
      %dma_start3A_412 = tpu.memref_slice %arg17[%dma_start3A_410, %dma_start3A_411] : memref<128x128xf32, #tpu.memory_space<vmem>> -> memref<32x128xf32, #tpu.memory_space<vmem>>
      %dma_start3A_413 = arith.constant 64 : i32
      %dma_start3A_414 = tpu.memref_slice %arg15[%dma_start3A_413] : memref<128xi32, #tpu.memory_space<vmem>> -> memref<32xi32, #tpu.memory_space<vmem>>
      %dma_start3A_415 = arith.constant 0 : i32
      %dma_start3A_416 = arith.constant 0 : i32
      %dma_start3A_417 = tpu.memref_slice %arg7[%dma_start3A_415, %dma_start3A_416] : memref<160000x128xf32, #tpu.memory_space<hbm>> -> memref<160000x128xf32, #tpu.memory_space<hbm>>
      tpu.enqueue_indirect_dma source(%dma_start3A_417 : memref<160000x128xf32, #tpu.memory_space<hbm>>) target(%dma_start3A_412 : memref<32x128xf32, #tpu.memory_space<vmem>>) offsets(%dma_start3A_414 : memref<32xi32, #tpu.memory_space<vmem>>) semaphore(%arg21 : memref<!tpu.dma_semaphore, #tpu.memory_space<semaphore_mem>>)
      %dma_start3A_418 = arith.constant 96 : i32
      %dma_start3A_419 = arith.constant 0 : i32
      %dma_start3A_420 = tpu.memref_slice %arg17[%dma_start3A_418, %dma_start3A_419] : memref<128x128xf32, #tpu.memory_space<vmem>> -> memref<32x128xf32, #tpu.memory_space<vmem>>
      %dma_start3A_421 = arith.constant 96 : i32
      %dma_start3A_422 = tpu.memref_slice %arg15[%dma_start3A_421] : memref<128xi32, #tpu.memory_space<vmem>> -> memref<32xi32, #tpu.memory_space<vmem>>
      %dma_start3A_423 = arith.constant 0 : i32
      %dma_start3A_424 = arith.constant 0 : i32
      %dma_start3A_425 = tpu.memref_slice %arg7[%dma_start3A_423, %dma_start3A_424] : memref<160000x128xf32, #tpu.memory_space<hbm>> -> memref<160000x128xf32, #tpu.memory_space<hbm>>
      tpu.enqueue_indirect_dma source(%dma_start3A_425 : memref<160000x128xf32, #tpu.memory_space<hbm>>) target(%dma_start3A_420 : memref<32x128xf32, #tpu.memory_space<vmem>>) offsets(%dma_start3A_422 : memref<32xi32, #tpu.memory_space<vmem>>) semaphore(%arg22 : memref<!tpu.dma_semaphore, #tpu.memory_space<semaphore_mem>>)
      %dma_wait3A_426 = arith.constant 0 : i32
      %dma_wait3A_427 = arith.constant 0 : i32
      %dma_wait3A_428 = tpu.memref_slice %arg17[%dma_wait3A_426, %dma_wait3A_427] : memref<128x128xf32, #tpu.memory_space<vmem>> -> memref<32x128xf32, #tpu.memory_space<vmem>>
      %dma_wait3A_429 = arith.constant 0 : i32
      %dma_wait3A_430 = tpu.memref_slice %arg15[%dma_wait3A_429] : memref<128xi32, #tpu.memory_space<vmem>> -> memref<32xi32, #tpu.memory_space<vmem>>
      %dma_wait3A_431 = arith.constant 0 : i32
      %dma_wait3A_432 = arith.constant 0 : i32
      %dma_wait3A_433 = tpu.memref_slice %arg7[%dma_wait3A_431, %dma_wait3A_432] : memref<160000x128xf32, #tpu.memory_space<hbm>> -> memref<160000x128xf32, #tpu.memory_space<hbm>>
      tpu.wait_indirect_dma semaphore(%arg19 : memref<!tpu.dma_semaphore, #tpu.memory_space<semaphore_mem>>) src(%dma_wait3A_433 : memref<160000x128xf32, #tpu.memory_space<hbm>>) dst(%dma_wait3A_428 : memref<32x128xf32, #tpu.memory_space<vmem>>)
      %dma_wait3A_434 = arith.constant 32 : i32
      %dma_wait3A_435 = arith.constant 0 : i32
      %dma_wait3A_436 = tpu.memref_slice %arg17[%dma_wait3A_434, %dma_wait3A_435] : memref<128x128xf32, #tpu.memory_space<vmem>> -> memref<32x128xf32, #tpu.memory_space<vmem>>
      %dma_wait3A_437 = arith.constant 32 : i32
      %dma_wait3A_438 = tpu.memref_slice %arg15[%dma_wait3A_437] : memref<128xi32, #tpu.memory_space<vmem>> -> memref<32xi32, #tpu.memory_space<vmem>>
      %dma_wait3A_439 = arith.constant 0 : i32
      %dma_wait3A_440 = arith.constant 0 : i32
      %dma_wait3A_441 = tpu.memref_slice %arg7[%dma_wait3A_439, %dma_wait3A_440] : memref<160000x128xf32, #tpu.memory_space<hbm>> -> memref<160000x128xf32, #tpu.memory_space<hbm>>
      tpu.wait_indirect_dma semaphore(%arg20 : memref<!tpu.dma_semaphore, #tpu.memory_space<semaphore_mem>>) src(%dma_wait3A_441 : memref<160000x128xf32, #tpu.memory_space<hbm>>) dst(%dma_wait3A_436 : memref<32x128xf32, #tpu.memory_space<vmem>>)
      %dma_wait3A_442 = arith.constant 64 : i32
      %dma_wait3A_443 = arith.constant 0 : i32
      %dma_wait3A_444 = tpu.memref_slice %arg17[%dma_wait3A_442, %dma_wait3A_443] : memref<128x128xf32, #tpu.memory_space<vmem>> -> memref<32x128xf32, #tpu.memory_space<vmem>>
      %dma_wait3A_445 = arith.constant 64 : i32
      %dma_wait3A_446 = tpu.memref_slice %arg15[%dma_wait3A_445] : memref<128xi32, #tpu.memory_space<vmem>> -> memref<32xi32, #tpu.memory_space<vmem>>
      %dma_wait3A_447 = arith.constant 0 : i32
      %dma_wait3A_448 = arith.constant 0 : i32
      %dma_wait3A_449 = tpu.memref_slice %arg7[%dma_wait3A_447, %dma_wait3A_448] : memref<160000x128xf32, #tpu.memory_space<hbm>> -> memref<160000x128xf32, #tpu.memory_space<hbm>>
      tpu.wait_indirect_dma semaphore(%arg21 : memref<!tpu.dma_semaphore, #tpu.memory_space<semaphore_mem>>) src(%dma_wait3A_449 : memref<160000x128xf32, #tpu.memory_space<hbm>>) dst(%dma_wait3A_444 : memref<32x128xf32, #tpu.memory_space<vmem>>)
      %dma_wait3A_450 = arith.constant 96 : i32
      %dma_wait3A_451 = arith.constant 0 : i32
      %dma_wait3A_452 = tpu.memref_slice %arg17[%dma_wait3A_450, %dma_wait3A_451] : memref<128x128xf32, #tpu.memory_space<vmem>> -> memref<32x128xf32, #tpu.memory_space<vmem>>
      %dma_wait3A_453 = arith.constant 96 : i32
      %dma_wait3A_454 = tpu.memref_slice %arg15[%dma_wait3A_453] : memref<128xi32, #tpu.memory_space<vmem>> -> memref<32xi32, #tpu.memory_space<vmem>>
      %dma_wait3A_455 = arith.constant 0 : i32
      %dma_wait3A_456 = arith.constant 0 : i32
      %dma_wait3A_457 = tpu.memref_slice %arg7[%dma_wait3A_455, %dma_wait3A_456] : memref<160000x128xf32, #tpu.memory_space<hbm>> -> memref<160000x128xf32, #tpu.memory_space<hbm>>
      tpu.wait_indirect_dma semaphore(%arg22 : memref<!tpu.dma_semaphore, #tpu.memory_space<semaphore_mem>>) src(%dma_wait3A_457 : memref<160000x128xf32, #tpu.memory_space<hbm>>) dst(%dma_wait3A_452 : memref<32x128xf32, #tpu.memory_space<vmem>>)
      "tpu.region"() ({
        %run_scoped3A = tpu.sem_alloc : memref<!tpu.dma_semaphore, #tpu.memory_space<semaphore_mem>>
        %dma_start3A_458 = arith.constant 0 : i32
        %dma_start3A_459 = arith.constant 0 : i32
        %dma_start3A_460 = tpu.memref_slice %arg18[%dma_start3A_458, %dma_start3A_459] : memref<10112x128xf32, #tpu.memory_space<vmem_shared>> -> memref<10112x128xf32, #tpu.memory_space<vmem_shared>>
        tpu.enqueue_indirect_dma source(%arg17 : memref<128x128xf32, #tpu.memory_space<vmem>>) target(%dma_start3A_460 : memref<10112x128xf32, #tpu.memory_space<vmem_shared>>) offsets(%arg16 : memref<128xi32, #tpu.memory_space<vmem>>) semaphore(%run_scoped3A : memref<!tpu.dma_semaphore, #tpu.memory_space<semaphore_mem>>) {add = true}
        %dma_wait3A_461 = arith.constant 0 : i32
        %dma_wait3A_462 = arith.constant 0 : i32
        %dma_wait3A_463 = tpu.memref_slice %arg18[%dma_wait3A_461, %dma_wait3A_462] : memref<10112x128xf32, #tpu.memory_space<vmem_shared>> -> memref<10112x128xf32, #tpu.memory_space<vmem_shared>>
        tpu.wait_indirect_dma semaphore(%run_scoped3A : memref<!tpu.dma_semaphore, #tpu.memory_space<semaphore_mem>>) src(%arg17 : memref<128x128xf32, #tpu.memory_space<vmem>>) dst(%dma_wait3A_463 : memref<10112x128xf32, #tpu.memory_space<vmem_shared>>)
        tpu.yield
      }) : () -> ()
    }
    %while3A_257 = arith.constant 1 : i32
    scf.for %while3A_259 = %while3A_255 to %while3A_251 step %while3A_257  : i32 {
      %mul3A_260 = arith.constant 128 : i32
      %mul3A_261 = arith.muli %while3A_259, %mul3A_260 : i32
      %add3A_262 = arith.constant 0 : i32
      %add3A_263 = arith.addi %mul3A_261, %add3A_262 : i32
      %add3A_264 = vector.broadcast %add3A_263 : i32 to vector<16xi32>
      %add3A_265 = arith.addi %add3A_264, %iota3A : vector<16xi32>
      %gather3A = tpu.vector_load_idx %arg14[%add3A_265] : memref<10256xi32, #tpu.memory_space<vmem>>[vector<16xi32>], vector<16xi32>,
      %shift_right_logical3A = arith.constant 14 : i32
      %shift_right_logical3A_266 = vector.broadcast %shift_right_logical3A : i32 to vector<16xi32>
      %shift_right_logical3A_267 = arith.shrui %gather3A, %shift_right_logical3A_266 : vector<16xi32>
      %add3A_268 = vector.broadcast %mul3A_245 : i32 to vector<16xi32>
      %add3A_269 = arith.addi %shift_right_logical3A_267, %add3A_268 : vector<16xi32>
      %swap3A = arith.constant 0 : index
      %swap3A_270 = tpu.vector_load %arg15[%swap3A] {strides = array<i32>} : memref<128xi32, #tpu.memory_space<vmem>>, vector<16xi32>,
      tpu.vector_store %arg15[%swap3A], %add3A_269 {strides = array<i32>} : memref<128xi32, #tpu.memory_space<vmem>>, vector<16xi32>,
      %and3A = arith.constant 16383 : i32
      %and3A_271 = vector.broadcast %and3A : i32 to vector<16xi32>
      %and3A_272 = arith.andi %gather3A, %and3A_271 : vector<16xi32>
      %swap3A_273 = arith.constant 0 : index
      %swap3A_274 = tpu.vector_load %arg16[%swap3A_273] {strides = array<i32>} : memref<128xi32, #tpu.memory_space<vmem>>, vector<16xi32>,
      tpu.vector_store %arg16[%swap3A_273], %and3A_272 {strides = array<i32>} : memref<128xi32, #tpu.memory_space<vmem>>, vector<16xi32>,
      %add3A_275 = arith.constant 16 : i32
      %add3A_276 = arith.addi %mul3A_261, %add3A_275 : i32
      %add3A_277 = vector.broadcast %add3A_276 : i32 to vector<16xi32>
      %add3A_278 = arith.addi %add3A_277, %iota3A : vector<16xi32>
      %gather3A_279 = tpu.vector_load_idx %arg14[%add3A_278] : memref<10256xi32, #tpu.memory_space<vmem>>[vector<16xi32>], vector<16xi32>,
      %shift_right_logical3A_280 = arith.constant 14 : i32
      %shift_right_logical3A_281 = vector.broadcast %shift_right_logical3A_280 : i32 to vector<16xi32>
      %shift_right_logical3A_282 = arith.shrui %gather3A_279, %shift_right_logical3A_281 : vector<16xi32>
      %add3A_283 = vector.broadcast %mul3A_245 : i32 to vector<16xi32>
      %add3A_284 = arith.addi %shift_right_logical3A_282, %add3A_283 : vector<16xi32>
      %swap3A_285 = arith.constant 16 : index
      %swap3A_286 = tpu.vector_load %arg15[%swap3A_285] {strides = array<i32>} : memref<128xi32, #tpu.memory_space<vmem>>, vector<16xi32>,
      tpu.vector_store %arg15[%swap3A_285], %add3A_284 {strides = array<i32>} : memref<128xi32, #tpu.memory_space<vmem>>, vector<16xi32>,
      %and3A_287 = arith.constant 16383 : i32
      %and3A_288 = vector.broadcast %and3A_287 : i32 to vector<16xi32>
      %and3A_289 = arith.andi %gather3A_279, %and3A_288 : vector<16xi32>
      %swap3A_290 = arith.constant 16 : index
      %swap3A_291 = tpu.vector_load %arg16[%swap3A_290] {strides = array<i32>} : memref<128xi32, #tpu.memory_space<vmem>>, vector<16xi32>,
      tpu.vector_store %arg16[%swap3A_290], %and3A_289 {strides = array<i32>} : memref<128xi32, #tpu.memory_space<vmem>>, vector<16xi32>,
      %add3A_292 = arith.constant 32 : i32
      %add3A_293 = arith.addi %mul3A_261, %add3A_292 : i32
      %add3A_294 = vector.broadcast %add3A_293 : i32 to vector<16xi32>
      %add3A_295 = arith.addi %add3A_294, %iota3A : vector<16xi32>
      %gather3A_296 = tpu.vector_load_idx %arg14[%add3A_295] : memref<10256xi32, #tpu.memory_space<vmem>>[vector<16xi32>], vector<16xi32>,
      %shift_right_logical3A_297 = arith.constant 14 : i32
      %shift_right_logical3A_298 = vector.broadcast %shift_right_logical3A_297 : i32 to vector<16xi32>
      %shift_right_logical3A_299 = arith.shrui %gather3A_296, %shift_right_logical3A_298 : vector<16xi32>
      %add3A_300 = vector.broadcast %mul3A_245 : i32 to vector<16xi32>
      %add3A_301 = arith.addi %shift_right_logical3A_299, %add3A_300 : vector<16xi32>
      %swap3A_302 = arith.constant 32 : index
      %swap3A_303 = tpu.vector_load %arg15[%swap3A_302] {strides = array<i32>} : memref<128xi32, #tpu.memory_space<vmem>>, vector<16xi32>,
      tpu.vector_store %arg15[%swap3A_302], %add3A_301 {strides = array<i32>} : memref<128xi32, #tpu.memory_space<vmem>>, vector<16xi32>,
      %and3A_304 = arith.constant 16383 : i32
      %and3A_305 = vector.broadcast %and3A_304 : i32 to vector<16xi32>
      %and3A_306 = arith.andi %gather3A_296, %and3A_305 : vector<16xi32>
      %swap3A_307 = arith.constant 32 : index
      %swap3A_308 = tpu.vector_load %arg16[%swap3A_307] {strides = array<i32>} : memref<128xi32, #tpu.memory_space<vmem>>, vector<16xi32>,
      tpu.vector_store %arg16[%swap3A_307], %and3A_306 {strides = array<i32>} : memref<128xi32, #tpu.memory_space<vmem>>, vector<16xi32>,
      %add3A_309 = arith.constant 48 : i32
      %add3A_310 = arith.addi %mul3A_261, %add3A_309 : i32
      %add3A_311 = vector.broadcast %add3A_310 : i32 to vector<16xi32>
      %add3A_312 = arith.addi %add3A_311, %iota3A : vector<16xi32>
      %gather3A_313 = tpu.vector_load_idx %arg14[%add3A_312] : memref<10256xi32, #tpu.memory_space<vmem>>[vector<16xi32>], vector<16xi32>,
      %shift_right_logical3A_314 = arith.constant 14 : i32
      %shift_right_logical3A_315 = vector.broadcast %shift_right_logical3A_314 : i32 to vector<16xi32>
      %shift_right_logical3A_316 = arith.shrui %gather3A_313, %shift_right_logical3A_315 : vector<16xi32>
      %add3A_317 = vector.broadcast %mul3A_245 : i32 to vector<16xi32>
      %add3A_318 = arith.addi %shift_right_logical3A_316, %add3A_317 : vector<16xi32>
      %swap3A_319 = arith.constant 48 : index
      %swap3A_320 = tpu.vector_load %arg15[%swap3A_319] {strides = array<i32>} : memref<128xi32, #tpu.memory_space<vmem>>, vector<16xi32>,
      tpu.vector_store %arg15[%swap3A_319], %add3A_318 {strides = array<i32>} : memref<128xi32, #tpu.memory_space<vmem>>, vector<16xi32>,
      %and3A_321 = arith.constant 16383 : i32
      %and3A_322 = vector.broadcast %and3A_321 : i32 to vector<16xi32>
      %and3A_323 = arith.andi %gather3A_313, %and3A_322 : vector<16xi32>
      %swap3A_324 = arith.constant 48 : index
      %swap3A_325 = tpu.vector_load %arg16[%swap3A_324] {strides = array<i32>} : memref<128xi32, #tpu.memory_space<vmem>>, vector<16xi32>,
      tpu.vector_store %arg16[%swap3A_324], %and3A_323 {strides = array<i32>} : memref<128xi32, #tpu.memory_space<vmem>>, vector<16xi32>,
      %add3A_326 = arith.constant 64 : i32
      %add3A_327 = arith.addi %mul3A_261, %add3A_326 : i32
      %add3A_328 = vector.broadcast %add3A_327 : i32 to vector<16xi32>
      %add3A_329 = arith.addi %add3A_328, %iota3A : vector<16xi32>
      %gather3A_330 = tpu.vector_load_idx %arg14[%add3A_329] : memref<10256xi32, #tpu.memory_space<vmem>>[vector<16xi32>], vector<16xi32>,
      %shift_right_logical3A_331 = arith.constant 14 : i32
      %shift_right_logical3A_332 = vector.broadcast %shift_right_logical3A_331 : i32 to vector<16xi32>
      %shift_right_logical3A_333 = arith.shrui %gather3A_330, %shift_right_logical3A_332 : vector<16xi32>
      %add3A_334 = vector.broadcast %mul3A_245 : i32 to vector<16xi32>
      %add3A_335 = arith.addi %shift_right_logical3A_333, %add3A_334 : vector<16xi32>
      %swap3A_336 = arith.constant 64 : index
      %swap3A_337 = tpu.vector_load %arg15[%swap3A_336] {strides = array<i32>} : memref<128xi32, #tpu.memory_space<vmem>>, vector<16xi32>,
      tpu.vector_store %arg15[%swap3A_336], %add3A_335 {strides = array<i32>} : memref<128xi32, #tpu.memory_space<vmem>>, vector<16xi32>,
      %and3A_338 = arith.constant 16383 : i32
      %and3A_339 = vector.broadcast %and3A_338 : i32 to vector<16xi32>
      %and3A_340 = arith.andi %gather3A_330, %and3A_339 : vector<16xi32>
      %swap3A_341 = arith.constant 64 : index
      %swap3A_342 = tpu.vector_load %arg16[%swap3A_341] {strides = array<i32>} : memref<128xi32, #tpu.memory_space<vmem>>, vector<16xi32>,
      tpu.vector_store %arg16[%swap3A_341], %and3A_340 {strides = array<i32>} : memref<128xi32, #tpu.memory_space<vmem>>, vector<16xi32>,
      %add3A_343 = arith.constant 80 : i32
      %add3A_344 = arith.addi %mul3A_261, %add3A_343 : i32
      %add3A_345 = vector.broadcast %add3A_344 : i32 to vector<16xi32>
      %add3A_346 = arith.addi %add3A_345, %iota3A : vector<16xi32>
      %gather3A_347 = tpu.vector_load_idx %arg14[%add3A_346] : memref<10256xi32, #tpu.memory_space<vmem>>[vector<16xi32>], vector<16xi32>,
      %shift_right_logical3A_348 = arith.constant 14 : i32
      %shift_right_logical3A_349 = vector.broadcast %shift_right_logical3A_348 : i32 to vector<16xi32>
      %shift_right_logical3A_350 = arith.shrui %gather3A_347, %shift_right_logical3A_349 : vector<16xi32>
      %add3A_351 = vector.broadcast %mul3A_245 : i32 to vector<16xi32>
      %add3A_352 = arith.addi %shift_right_logical3A_350, %add3A_351 : vector<16xi32>
      %swap3A_353 = arith.constant 80 : index
      %swap3A_354 = tpu.vector_load %arg15[%swap3A_353] {strides = array<i32>} : memref<128xi32, #tpu.memory_space<vmem>>, vector<16xi32>,
      tpu.vector_store %arg15[%swap3A_353], %add3A_352 {strides = array<i32>} : memref<128xi32, #tpu.memory_space<vmem>>, vector<16xi32>,
      %and3A_355 = arith.constant 16383 : i32
      %and3A_356 = vector.broadcast %and3A_355 : i32 to vector<16xi32>
      %and3A_357 = arith.andi %gather3A_347, %and3A_356 : vector<16xi32>
      %swap3A_358 = arith.constant 80 : index
      %swap3A_359 = tpu.vector_load %arg16[%swap3A_358] {strides = array<i32>} : memref<128xi32, #tpu.memory_space<vmem>>, vector<16xi32>,
      tpu.vector_store %arg16[%swap3A_358], %and3A_357 {strides = array<i32>} : memref<128xi32, #tpu.memory_space<vmem>>, vector<16xi32>,
      %add3A_360 = arith.constant 96 : i32
      %add3A_361 = arith.addi %mul3A_261, %add3A_360 : i32
      %add3A_362 = vector.broadcast %add3A_361 : i32 to vector<16xi32>
      %add3A_363 = arith.addi %add3A_362, %iota3A : vector<16xi32>
      %gather3A_364 = tpu.vector_load_idx %arg14[%add3A_363] : memref<10256xi32, #tpu.memory_space<vmem>>[vector<16xi32>], vector<16xi32>,
      %shift_right_logical3A_365 = arith.constant 14 : i32
      %shift_right_logical3A_366 = vector.broadcast %shift_right_logical3A_365 : i32 to vector<16xi32>
      %shift_right_logical3A_367 = arith.shrui %gather3A_364, %shift_right_logical3A_366 : vector<16xi32>
      %add3A_368 = vector.broadcast %mul3A_245 : i32 to vector<16xi32>
      %add3A_369 = arith.addi %shift_right_logical3A_367, %add3A_368 : vector<16xi32>
      %swap3A_370 = arith.constant 96 : index
      %swap3A_371 = tpu.vector_load %arg15[%swap3A_370] {strides = array<i32>} : memref<128xi32, #tpu.memory_space<vmem>>, vector<16xi32>,
      tpu.vector_store %arg15[%swap3A_370], %add3A_369 {strides = array<i32>} : memref<128xi32, #tpu.memory_space<vmem>>, vector<16xi32>,
      %and3A_372 = arith.constant 16383 : i32
      %and3A_373 = vector.broadcast %and3A_372 : i32 to vector<16xi32>
      %and3A_374 = arith.andi %gather3A_364, %and3A_373 : vector<16xi32>
      %swap3A_375 = arith.constant 96 : index
      %swap3A_376 = tpu.vector_load %arg16[%swap3A_375] {strides = array<i32>} : memref<128xi32, #tpu.memory_space<vmem>>, vector<16xi32>,
      tpu.vector_store %arg16[%swap3A_375], %and3A_374 {strides = array<i32>} : memref<128xi32, #tpu.memory_space<vmem>>, vector<16xi32>,
      %add3A_377 = arith.constant 112 : i32
      %add3A_378 = arith.addi %mul3A_261, %add3A_377 : i32
      %add3A_379 = vector.broadcast %add3A_378 : i32 to vector<16xi32>
      %add3A_380 = arith.addi %add3A_379, %iota3A : vector<16xi32>
      %gather3A_381 = tpu.vector_load_idx %arg14[%add3A_380] : memref<10256xi32, #tpu.memory_space<vmem>>[vector<16xi32>], vector<16xi32>,
      %shift_right_logical3A_382 = arith.constant 14 : i32
      %shift_right_logical3A_383 = vector.broadcast %shift_right_logical3A_382 : i32 to vector<16xi32>
      %shift_right_logical3A_384 = arith.shrui %gather3A_381, %shift_right_logical3A_383 : vector<16xi32>
      %add3A_385 = vector.broadcast %mul3A_245 : i32 to vector<16xi32>
      %add3A_386 = arith.addi %shift_right_logical3A_384, %add3A_385 : vector<16xi32>
      %swap3A_387 = arith.constant 112 : index
      %swap3A_388 = tpu.vector_load %arg15[%swap3A_387] {strides = array<i32>} : memref<128xi32, #tpu.memory_space<vmem>>, vector<16xi32>,
      tpu.vector_store %arg15[%swap3A_387], %add3A_386 {strides = array<i32>} : memref<128xi32, #tpu.memory_space<vmem>>, vector<16xi32>,
      %and3A_389 = arith.constant 16383 : i32
      %and3A_390 = vector.broadcast %and3A_389 : i32 to vector<16xi32>
      %and3A_391 = arith.andi %gather3A_381, %and3A_390 : vector<16xi32>
      %swap3A_392 = arith.constant 112 : index
      %swap3A_393 = tpu.vector_load %arg16[%swap3A_392] {strides = array<i32>} : memref<128xi32, #tpu.memory_space<vmem>>, vector<16xi32>,
      tpu.vector_store %arg16[%swap3A_392], %and3A_391 {strides = array<i32>} : memref<128xi32, #tpu.memory_space<vmem>>, vector<16xi32>,
      %dma_start3A_394 = arith.constant 0 : i32
      %dma_start3A_395 = arith.constant 0 : i32
      %dma_start3A_396 = tpu.memref_slice %arg17[%dma_start3A_394, %dma_start3A_395] : memref<128x128xf32, #tpu.memory_space<vmem>> -> memref<32x128xf32, #tpu.memory_space<vmem>>
      %dma_start3A_397 = arith.constant 0 : i32
      %dma_start3A_398 = tpu.memref_slice %arg15[%dma_start3A_397] : memref<128xi32, #tpu.memory_space<vmem>> -> memref<32xi32, #tpu.memory_space<vmem>>
      %dma_start3A_399 = arith.constant 0 : i32
      %dma_start3A_400 = arith.constant 0 : i32
      %dma_start3A_401 = tpu.memref_slice %arg7[%dma_start3A_399, %dma_start3A_400] : memref<160000x128xf32, #tpu.memory_space<hbm>> -> memref<160000x128xf32, #tpu.memory_space<hbm>>
      tpu.enqueue_indirect_dma source(%dma_start3A_401 : memref<160000x128xf32, #tpu.memory_space<hbm>>) target(%dma_start3A_396 : memref<32x128xf32, #tpu.memory_space<vmem>>) offsets(%dma_start3A_398 : memref<32xi32, #tpu.memory_space<vmem>>) semaphore(%arg19 : memref<!tpu.dma_semaphore, #tpu.memory_space<semaphore_mem>>)
      %dma_start3A_402 = arith.constant 32 : i32
      %dma_start3A_403 = arith.constant 0 : i32
      %dma_start3A_404 = tpu.memref_slice %arg17[%dma_start3A_402, %dma_start3A_403] : memref<128x128xf32, #tpu.memory_space<vmem>> -> memref<32x128xf32, #tpu.memory_space<vmem>>
      %dma_start3A_405 = arith.constant 32 : i32
      %dma_start3A_406 = tpu.memref_slice %arg15[%dma_start3A_405] : memref<128xi32, #tpu.memory_space<vmem>> -> memref<32xi32, #tpu.memory_space<vmem>>
      %dma_start3A_407 = arith.constant 0 : i32
      %dma_start3A_408 = arith.constant 0 : i32
      %dma_start3A_409 = tpu.memref_slice %arg7[%dma_start3A_407, %dma_start3A_408] : memref<160000x128xf32, #tpu.memory_space<hbm>> -> memref<160000x128xf32, #tpu.memory_space<hbm>>
      tpu.enqueue_indirect_dma source(%dma_start3A_409 : memref<160000x128xf32, #tpu.memory_space<hbm>>) target(%dma_start3A_404 : memref<32x128xf32, #tpu.memory_space<vmem>>) offsets(%dma_start3A_406 : memref<32xi32, #tpu.memory_space<vmem>>) semaphore(%arg20 : memref<!tpu.dma_semaphore, #tpu.memory_space<semaphore_mem>>)
      %dma_start3A_410 = arith.constant 64 : i32
      %dma_start3A_411 = arith.constant 0 : i32
      %dma_start3A_412 = tpu.memref_slice %arg17[%dma_start3A_410, %dma_start3A_411] : memref<128x128xf32, #tpu.memory_space<vmem>> -> memref<32x128xf32, #tpu.memory_space<vmem>>
      %dma_start3A_413 = arith.constant 64 : i32
      %dma_start3A_414 = tpu.memref_slice %arg15[%dma_start3A_413] : memref<128xi32, #tpu.memory_space<vmem>> -> memref<32xi32, #tpu.memory_space<vmem>>
      %dma_start3A_415 = arith.constant 0 : i32
      %dma_start3A_416 = arith.constant 0 : i32
      %dma_start3A_417 = tpu.memref_slice %arg7[%dma_start3A_415, %dma_start3A_416] : memref<160000x128xf32, #tpu.memory_space<hbm>> -> memref<160000x128xf32, #tpu.memory_space<hbm>>
      tpu.enqueue_indirect_dma source(%dma_start3A_417 : memref<160000x128xf32, #tpu.memory_space<hbm>>) target(%dma_start3A_412 : memref<32x128xf32, #tpu.memory_space<vmem>>) offsets(%dma_start3A_414 : memref<32xi32, #tpu.memory_space<vmem>>) semaphore(%arg21 : memref<!tpu.dma_semaphore, #tpu.memory_space<semaphore_mem>>)
      %dma_start3A_418 = arith.constant 96 : i32
      %dma_start3A_419 = arith.constant 0 : i32
      %dma_start3A_420 = tpu.memref_slice %arg17[%dma_start3A_418, %dma_start3A_419] : memref<128x128xf32, #tpu.memory_space<vmem>> -> memref<32x128xf32, #tpu.memory_space<vmem>>
      %dma_start3A_421 = arith.constant 96 : i32
      %dma_start3A_422 = tpu.memref_slice %arg15[%dma_start3A_421] : memref<128xi32, #tpu.memory_space<vmem>> -> memref<32xi32, #tpu.memory_space<vmem>>
      %dma_start3A_423 = arith.constant 0 : i32
      %dma_start3A_424 = arith.constant 0 : i32
      %dma_start3A_425 = tpu.memref_slice %arg7[%dma_start3A_423, %dma_start3A_424] : memref<160000x128xf32, #tpu.memory_space<hbm>> -> memref<160000x128xf32, #tpu.memory_space<hbm>>
      tpu.enqueue_indirect_dma source(%dma_start3A_425 : memref<160000x128xf32, #tpu.memory_space<hbm>>) target(%dma_start3A_420 : memref<32x128xf32, #tpu.memory_space<vmem>>) offsets(%dma_start3A_422 : memref<32xi32, #tpu.memory_space<vmem>>) semaphore(%arg22 : memref<!tpu.dma_semaphore, #tpu.memory_space<semaphore_mem>>)
      %dma_wait3A_426 = arith.constant 0 : i32
      %dma_wait3A_427 = arith.constant 0 : i32
      %dma_wait3A_428 = tpu.memref_slice %arg17[%dma_wait3A_426, %dma_wait3A_427] : memref<128x128xf32, #tpu.memory_space<vmem>> -> memref<32x128xf32, #tpu.memory_space<vmem>>
      %dma_wait3A_429 = arith.constant 0 : i32
      %dma_wait3A_430 = tpu.memref_slice %arg15[%dma_wait3A_429] : memref<128xi32, #tpu.memory_space<vmem>> -> memref<32xi32, #tpu.memory_space<vmem>>
      %dma_wait3A_431 = arith.constant 0 : i32
      %dma_wait3A_432 = arith.constant 0 : i32
      %dma_wait3A_433 = tpu.memref_slice %arg7[%dma_wait3A_431, %dma_wait3A_432] : memref<160000x128xf32, #tpu.memory_space<hbm>> -> memref<160000x128xf32, #tpu.memory_space<hbm>>
      tpu.wait_indirect_dma semaphore(%arg19 : memref<!tpu.dma_semaphore, #tpu.memory_space<semaphore_mem>>) src(%dma_wait3A_433 : memref<160000x128xf32, #tpu.memory_space<hbm>>) dst(%dma_wait3A_428 : memref<32x128xf32, #tpu.memory_space<vmem>>)
      %dma_wait3A_434 = arith.constant 32 : i32
      %dma_wait3A_435 = arith.constant 0 : i32
      %dma_wait3A_436 = tpu.memref_slice %arg17[%dma_wait3A_434, %dma_wait3A_435] : memref<128x128xf32, #tpu.memory_space<vmem>> -> memref<32x128xf32, #tpu.memory_space<vmem>>
      %dma_wait3A_437 = arith.constant 32 : i32
      %dma_wait3A_438 = tpu.memref_slice %arg15[%dma_wait3A_437] : memref<128xi32, #tpu.memory_space<vmem>> -> memref<32xi32, #tpu.memory_space<vmem>>
      %dma_wait3A_439 = arith.constant 0 : i32
      %dma_wait3A_440 = arith.constant 0 : i32
      %dma_wait3A_441 = tpu.memref_slice %arg7[%dma_wait3A_439, %dma_wait3A_440] : memref<160000x128xf32, #tpu.memory_space<hbm>> -> memref<160000x128xf32, #tpu.memory_space<hbm>>
      tpu.wait_indirect_dma semaphore(%arg20 : memref<!tpu.dma_semaphore, #tpu.memory_space<semaphore_mem>>) src(%dma_wait3A_441 : memref<160000x128xf32, #tpu.memory_space<hbm>>) dst(%dma_wait3A_436 : memref<32x128xf32, #tpu.memory_space<vmem>>)
      %dma_wait3A_442 = arith.constant 64 : i32
      %dma_wait3A_443 = arith.constant 0 : i32
      %dma_wait3A_444 = tpu.memref_slice %arg17[%dma_wait3A_442, %dma_wait3A_443] : memref<128x128xf32, #tpu.memory_space<vmem>> -> memref<32x128xf32, #tpu.memory_space<vmem>>
      %dma_wait3A_445 = arith.constant 64 : i32
      %dma_wait3A_446 = tpu.memref_slice %arg15[%dma_wait3A_445] : memref<128xi32, #tpu.memory_space<vmem>> -> memref<32xi32, #tpu.memory_space<vmem>>
      %dma_wait3A_447 = arith.constant 0 : i32
      %dma_wait3A_448 = arith.constant 0 : i32
      %dma_wait3A_449 = tpu.memref_slice %arg7[%dma_wait3A_447, %dma_wait3A_448] : memref<160000x128xf32, #tpu.memory_space<hbm>> -> memref<160000x128xf32, #tpu.memory_space<hbm>>
      tpu.wait_indirect_dma semaphore(%arg21 : memref<!tpu.dma_semaphore, #tpu.memory_space<semaphore_mem>>) src(%dma_wait3A_449 : memref<160000x128xf32, #tpu.memory_space<hbm>>) dst(%dma_wait3A_444 : memref<32x128xf32, #tpu.memory_space<vmem>>)
      %dma_wait3A_450 = arith.constant 96 : i32
      %dma_wait3A_451 = arith.constant 0 : i32
      %dma_wait3A_452 = tpu.memref_slice %arg17[%dma_wait3A_450, %dma_wait3A_451] : memref<128x128xf32, #tpu.memory_space<vmem>> -> memref<32x128xf32, #tpu.memory_space<vmem>>
      %dma_wait3A_453 = arith.constant 96 : i32
      %dma_wait3A_454 = tpu.memref_slice %arg15[%dma_wait3A_453] : memref<128xi32, #tpu.memory_space<vmem>> -> memref<32xi32, #tpu.memory_space<vmem>>
      %dma_wait3A_455 = arith.constant 0 : i32
      %dma_wait3A_456 = arith.constant 0 : i32
      %dma_wait3A_457 = tpu.memref_slice %arg7[%dma_wait3A_455, %dma_wait3A_456] : memref<160000x128xf32, #tpu.memory_space<hbm>> -> memref<160000x128xf32, #tpu.memory_space<hbm>>
      tpu.wait_indirect_dma semaphore(%arg22 : memref<!tpu.dma_semaphore, #tpu.memory_space<semaphore_mem>>) src(%dma_wait3A_457 : memref<160000x128xf32, #tpu.memory_space<hbm>>) dst(%dma_wait3A_452 : memref<32x128xf32, #tpu.memory_space<vmem>>)
      "tpu.region"() ({
        %run_scoped3A = tpu.sem_alloc : memref<!tpu.dma_semaphore, #tpu.memory_space<semaphore_mem>>
        %dma_start3A_458 = arith.constant 0 : i32
        %dma_start3A_459 = arith.constant 0 : i32
        %dma_start3A_460 = tpu.memref_slice %arg18[%dma_start3A_458, %dma_start3A_459] : memref<10112x128xf32, #tpu.memory_space<vmem_shared>> -> memref<10112x128xf32, #tpu.memory_space<vmem_shared>>
        tpu.enqueue_indirect_dma source(%arg17 : memref<128x128xf32, #tpu.memory_space<vmem>>) target(%dma_start3A_460 : memref<10112x128xf32, #tpu.memory_space<vmem_shared>>) offsets(%arg16 : memref<128xi32, #tpu.memory_space<vmem>>) semaphore(%run_scoped3A : memref<!tpu.dma_semaphore, #tpu.memory_space<semaphore_mem>>) {add = true}
        %dma_wait3A_461 = arith.constant 0 : i32
        %dma_wait3A_462 = arith.constant 0 : i32
        %dma_wait3A_463 = tpu.memref_slice %arg18[%dma_wait3A_461, %dma_wait3A_462] : memref<10112x128xf32, #tpu.memory_space<vmem_shared>> -> memref<10112x128xf32, #tpu.memory_space<vmem_shared>>
        tpu.wait_indirect_dma semaphore(%run_scoped3A : memref<!tpu.dma_semaphore, #tpu.memory_space<semaphore_mem>>) src(%arg17 : memref<128x128xf32, #tpu.memory_space<vmem>>) dst(%dma_wait3A_463 : memref<10112x128xf32, #tpu.memory_space<vmem_shared>>)
        tpu.yield
      }) : () -> ()
    }
    %barrier3A_258 = arith.constant 0 : index
    tpu.barrier barrier_id(%barrier3A_258)
    "tpu.region"() ({
      %run_scoped3A = tpu.sem_alloc : memref<!tpu.dma_semaphore, #tpu.memory_space<semaphore_mem>>
      %dma_start3A_259 = arith.constant 0 : i32
      %dma_start3A_260 = tpu.memref_slice %arg8[%arg0, %multiple_of3A_9, %dma_start3A_259] : memref<2x10112x128xf32, #tpu.memory_space<hbm>> -> memref<1x632x128xf32, #tpu.memory_space<hbm>>
      %dma_start3A_261 = tpu.memref_squeeze %dma_start3A_260 : memref<1x632x128xf32, #tpu.memory_space<hbm>> -> memref<632x128xf32, #tpu.memory_space<hbm>>
      %dma_start3A_262 = arith.constant 0 : i32
      %dma_start3A_263 = tpu.memref_slice %arg18[%multiple_of3A_9, %dma_start3A_262] : memref<10112x128xf32, #tpu.memory_space<vmem_shared>> -> memref<632x128xf32, #tpu.memory_space<vmem_shared>>
      tpu.enqueue_dma source(%dma_start3A_263 : memref<632x128xf32, #tpu.memory_space<vmem_shared>>) target(%dma_start3A_261 : memref<632x128xf32, #tpu.memory_space<hbm>>) target_semaphore(%run_scoped3A : memref<!tpu.dma_semaphore, #tpu.memory_space<semaphore_mem>>)
      %dma_wait3A_264 = arith.constant 0 : i32
      %dma_wait3A_265 = tpu.memref_slice %arg8[%arg0, %multiple_of3A_9, %dma_wait3A_264] : memref<2x10112x128xf32, #tpu.memory_space<hbm>> -> memref<1x632x128xf32, #tpu.memory_space<hbm>>
      %dma_wait3A_266 = tpu.memref_squeeze %dma_wait3A_265 : memref<1x632x128xf32, #tpu.memory_space<hbm>> -> memref<632x128xf32, #tpu.memory_space<hbm>>
      %dma_wait3A_267 = arith.constant 0 : i32
      %dma_wait3A_268 = tpu.memref_slice %arg18[%multiple_of3A_9, %dma_wait3A_267] : memref<10112x128xf32, #tpu.memory_space<vmem_shared>> -> memref<632x128xf32, #tpu.memory_space<vmem_shared>>
      tpu.wait_dma2 semaphore(%run_scoped3A : memref<!tpu.dma_semaphore, #tpu.memory_space<semaphore_mem>>) src(%dma_wait3A_268 : memref<632x128xf32, #tpu.memory_space<vmem_shared>>) dst(%dma_wait3A_266 : memref<632x128xf32, #tpu.memory_space<hbm>>)
      tpu.yield
    }) : () -> ()
    return
  }
}

module attributes {stable_mosaic.version = 14 : i64} {
  func.func @_z_body(%arg0: i32, %arg1: i32, %arg2: i32, %arg3: memref<1000x256xf32, #tpu.memory_space<vmem>>, %arg4: memref<1x256x128xf32, #tpu.memory_space<vmem>>, %arg5: memref<1000x128xf32, #tpu.memory_space<vmem>>) attributes {dimension_semantics = [#tpu.dimension_semantics<arbitrary>, #tpu.dimension_semantics<arbitrary>, #tpu.dimension_semantics<arbitrary>], iteration_bounds = array<i64: 8, 2, 10>, scalar_prefetch = 0 : i64, scratch_operands = 0 : i64, tpu.core_type = #tpu.core_type<tc>, window_params = [{transform_indices = @transform_0, window_bounds = array<i64: 1000, 256>}, {transform_indices = @transform_1, window_bounds = array<i64: 1, 256, 128>}, {transform_indices = @transform_2, window_bounds = array<i64: 1000, 128>}]} {
    %get3A = arith.constant 0 : index
    %get3A_0 = arith.constant 0 : index
    %get3A_1 = vector.load %arg3[%get3A, %get3A_0] : memref<1000x256xf32, #tpu.memory_space<vmem>>, vector<1000x256xf32>
    %get3A_2 = arith.constant 0 : index
    %get3A_3 = arith.constant 0 : index
    %get3A_4 = arith.constant 0 : index
    %get3A_5 = vector.load %arg4[%get3A_2, %get3A_3, %get3A_4] : memref<1x256x128xf32, #tpu.memory_space<vmem>>, vector<1x256x128xf32>
    %get3A_6 = vector.shape_cast %get3A_5 : vector<1x256x128xf32> to vector<256x128xf32>
    %dot_general3A = arith.constant dense<0.000000e+00> : vector<1000x128xf32>
    %dot_general3A_7 = tpu.matmul %get3A_1, %get3A_6, %dot_general3A {dimension_numbers = #tpu.dot_dimension_numbers<[1], [0], [0], [1], [0, 0, 1, 1], [], []>, transpose_lhs_hint = false} : vector<1000x256xf32>, vector<256x128xf32>, vector<1000x128xf32> -> vector<1000x128xf32>
    %swap3A = arith.constant 0 : index
    %swap3A_8 = arith.constant 0 : index
    %swap3A_9 = vector.load %arg5[%swap3A, %swap3A_8] : memref<1000x128xf32, #tpu.memory_space<vmem>>, vector<1000x128xf32>
    tpu.vector_store %arg5[%swap3A, %swap3A_8], %dot_general3A_7 {strides = array<i32>} : memref<1000x128xf32, #tpu.memory_space<vmem>>, vector<1000x128xf32>,
    return
  }
  func.func @transform_0(%arg0: i32, %arg1: i32, %arg2: i32) -> (i32, i32) {
    %c0_i32 = arith.constant 0 : i32
    %c0_i32_0 = arith.constant 0 : i32
    return %arg2, %c0_i32 : i32, i32
  }
  func.func @transform_1(%arg0: i32, %arg1: i32, %arg2: i32) -> (i32, i32, i32) {
    %c0_i32 = arith.constant 0 : i32
    %c0_i32_0 = arith.constant 0 : i32
    return %arg0, %c0_i32, %arg1 : i32, i32, i32
  }
  func.func @transform_2(%arg0: i32, %arg1: i32, %arg2: i32) -> (i32, i32) {
    %mul3A = arith.constant 8 : i32
    %mul3A_0 = arith.muli %arg1, %mul3A : i32
    %mul3A_1 = arith.constant 10 : i32
    %mul3A_2 = arith.muli %mul3A_0, %mul3A_1 : i32
    %mul3A_3 = arith.constant 10 : i32
    %mul3A_4 = arith.muli %arg0, %mul3A_3 : i32
    %add3A = arith.addi %mul3A_2, %mul3A_4 : i32
    %add3A_5 = arith.addi %add3A, %arg2 : i32
    %c0_i32 = arith.constant 0 : i32
    %c0_i32_6 = arith.constant 0 : i32
    return %add3A_5, %c0_i32 : i32, i32
  }
}

module attributes {stable_mosaic.version = 14 : i64} {
  func.func @_ep_body(%arg0: i32, %arg1: memref<1x1xi32, #tpu.memory_space<vmem>>, %arg2: memref<1000x256xf32, #tpu.memory_space<vmem>>, %arg3: memref<1000x1xi32, #tpu.memory_space<vmem>>, %arg4: memref<1x1000x128xf32, #tpu.memory_space<vmem>>, %arg5: memref<1x1000x128xf32, #tpu.memory_space<vmem>>, %arg6: memref<256x256xf32, #tpu.memory_space<vmem>>, %arg7: memref<1x256xf32, #tpu.memory_space<vmem>>, %arg8: memref<1000x256xf32, #tpu.memory_space<vmem>>) attributes {dimension_semantics = [#tpu.dimension_semantics<arbitrary>], iteration_bounds = array<i64: 10>, scalar_prefetch = 0 : i64, scratch_operands = 0 : i64, tpu.core_type = #tpu.core_type<tc>, window_params = [{pipeline_mode = #tpu.pipeline_mode<synchronous>, transform_indices = @transform_0, window_bounds = array<i64: 1, 1>}, {transform_indices = @transform_1, window_bounds = array<i64: 1000, 256>}, {transform_indices = @transform_2, window_bounds = array<i64: 1000, 1>}, {transform_indices = @transform_3, window_bounds = array<i64: 1, 1000, 128>}, {transform_indices = @transform_4, window_bounds = array<i64: 1, 1000, 128>}, {pipeline_mode = #tpu.pipeline_mode<synchronous>, transform_indices = @transform_5, window_bounds = array<i64: 256, 256>}, {pipeline_mode = #tpu.pipeline_mode<synchronous>, transform_indices = @transform_6, window_bounds = array<i64: 1, 256>}, {transform_indices = @transform_7, window_bounds = array<i64: 1000, 256>}]} {
    %get3A = arith.constant 0 : index
    %get3A_0 = arith.constant 0 : index
    %get3A_1 = vector.load %arg1[%get3A, %get3A_0] : memref<1x1xi32, #tpu.memory_space<vmem>>, vector<1x1xi32>
    %get3A_2 = vector.extract %get3A_1[0, 0] : i32 from vector<1x1xi32>
    %get3A_3 = arith.constant 0 : index
    %get3A_4 = arith.constant 0 : index
    %get3A_5 = vector.load %arg3[%get3A_3, %get3A_4] : memref<1000x1xi32, #tpu.memory_space<vmem>>, vector<1000x1xi32>
    %sub3A = arith.constant 1 : i32
    %sub3A_6 = arith.subi %get3A_2, %sub3A : i32
    %eq3A = vector.broadcast %sub3A_6 : i32 to vector<1000x1xi32>
    %eq3A_7 = arith.cmpi eq, %get3A_5, %eq3A : vector<1000x1xi32>
    %convert_element_type3A = arith.extui %eq3A_7 : vector<1000x1xi1> to vector<1000x1xi32>
    %convert_element_type3A_8 = arith.sitofp %convert_element_type3A : vector<1000x1xi32> to vector<1000x1xf32>
    %get3A_9 = arith.constant 0 : index
    %get3A_10 = arith.constant 0 : index
    %get3A_11 = arith.constant 0 : index
    %get3A_12 = vector.load %arg4[%get3A_9, %get3A_10, %get3A_11] : memref<1x1000x128xf32, #tpu.memory_space<vmem>>, vector<1x1000x128xf32>
    %get3A_13 = vector.shape_cast %get3A_12 : vector<1x1000x128xf32> to vector<1000x128xf32>
    %get3A_14 = arith.constant 0 : index
    %get3A_15 = arith.constant 0 : index
    %get3A_16 = arith.constant 0 : index
    %get3A_17 = vector.load %arg5[%get3A_14, %get3A_15, %get3A_16] : memref<1x1000x128xf32, #tpu.memory_space<vmem>>, vector<1x1000x128xf32>
    %get3A_18 = vector.shape_cast %get3A_17 : vector<1x1000x128xf32> to vector<1000x128xf32>
    %concatenate3A = tpu.concatenate %get3A_13, %get3A_18 in 1 : vector<1000x128xf32>, vector<1000x128xf32> -> vector<1000x256xf32>
    %mul3A = vector.broadcast %convert_element_type3A_8 : vector<1000x1xf32> to vector<1000x256xf32>
    %mul3A_19 = arith.mulf %concatenate3A, %mul3A : vector<1000x256xf32>
    %get3A_20 = arith.constant 0 : index
    %get3A_21 = arith.constant 0 : index
    %get3A_22 = vector.load %arg2[%get3A_20, %get3A_21] : memref<1000x256xf32, #tpu.memory_space<vmem>>, vector<1000x256xf32>
    %get3A_23 = arith.constant 0 : index
    %get3A_24 = arith.constant 0 : index
    %get3A_25 = vector.load %arg2[%get3A_23, %get3A_24] : memref<1000x256xf32, #tpu.memory_space<vmem>>, vector<1000x256xf32>
    %get3A_26 = arith.constant 0 : index
    %get3A_27 = arith.constant 0 : index
    %get3A_28 = vector.load %arg6[%get3A_26, %get3A_27] : memref<256x256xf32, #tpu.memory_space<vmem>>, vector<256x256xf32>
    %dot_general3A = arith.constant dense<0.000000e+00> : vector<1000x256xf32>
    %dot_general3A_29 = tpu.matmul %get3A_25, %get3A_28, %dot_general3A {dimension_numbers = #tpu.dot_dimension_numbers<[1], [0], [0], [1], [0, 0, 1, 1], [], []>, transpose_lhs_hint = false} : vector<1000x256xf32>, vector<256x256xf32>, vector<1000x256xf32> -> vector<1000x256xf32>
    %add3A = arith.addf %get3A_22, %dot_general3A_29 : vector<1000x256xf32>
    %get3A_30 = arith.constant 0 : index
    %get3A_31 = arith.constant 0 : index
    %get3A_32 = vector.load %arg7[%get3A_30, %get3A_31] : memref<1x256xf32, #tpu.memory_space<vmem>>, vector<1x256xf32>
    %add3A_33 = vector.broadcast %get3A_32 : vector<1x256xf32> to vector<1000x256xf32>
    %add3A_34 = arith.addf %add3A, %add3A_33 : vector<1000x256xf32>
    %add3A_35 = arith.addf %add3A_34, %mul3A_19 : vector<1000x256xf32>
    %max3A = arith.constant 0.000000e+00 : f32
    %max3A_36 = vector.broadcast %max3A : f32 to vector<1000x256xf32>
    %max3A_37 = arith.maximumf %add3A_35, %max3A_36 : vector<1000x256xf32>
    %swap3A = arith.constant 0 : index
    %swap3A_38 = arith.constant 0 : index
    %swap3A_39 = vector.load %arg8[%swap3A, %swap3A_38] : memref<1000x256xf32, #tpu.memory_space<vmem>>, vector<1000x256xf32>
    tpu.vector_store %arg8[%swap3A, %swap3A_38], %max3A_37 {strides = array<i32>} : memref<1000x256xf32, #tpu.memory_space<vmem>>, vector<1000x256xf32>,
    return
  }
  func.func @transform_0(%arg0: i32) -> (i32, i32) {
    %c0_i32 = arith.constant 0 : i32
    %c0_i32_0 = arith.constant 0 : i32
    %c0_i32_1 = arith.constant 0 : i32
    return %c0_i32, %c0_i32_0 : i32, i32
  }
  func.func @transform_1(%arg0: i32) -> (i32, i32) {
    %c0_i32 = arith.constant 0 : i32
    %c0_i32_0 = arith.constant 0 : i32
    return %arg0, %c0_i32 : i32, i32
  }
  func.func @transform_2(%arg0: i32) -> (i32, i32) {
    %c0_i32 = arith.constant 0 : i32
    %c0_i32_0 = arith.constant 0 : i32
    return %arg0, %c0_i32 : i32, i32
  }
  func.func @transform_3(%arg0: i32) -> (i32, i32, i32) {
    %c0_i32 = arith.constant 0 : i32
    %c0_i32_0 = arith.constant 0 : i32
    %c0_i32_1 = arith.constant 0 : i32
    return %c0_i32, %arg0, %c0_i32_0 : i32, i32, i32
  }
  func.func @transform_4(%arg0: i32) -> (i32, i32, i32) {
    %c1_i32 = arith.constant 1 : i32
    %c0_i32 = arith.constant 0 : i32
    %c0_i32_0 = arith.constant 0 : i32
    return %c1_i32, %arg0, %c0_i32 : i32, i32, i32
  }
  func.func @transform_5(%arg0: i32) -> (i32, i32) {
    %c0_i32 = arith.constant 0 : i32
    %c0_i32_0 = arith.constant 0 : i32
    %c0_i32_1 = arith.constant 0 : i32
    return %c0_i32, %c0_i32_0 : i32, i32
  }
  func.func @transform_6(%arg0: i32) -> (i32, i32) {
    %c0_i32 = arith.constant 0 : i32
    %c0_i32_0 = arith.constant 0 : i32
    %c0_i32_1 = arith.constant 0 : i32
    return %c0_i32, %c0_i32_0 : i32, i32
  }
  func.func @transform_7(%arg0: i32) -> (i32, i32) {
    %c0_i32 = arith.constant 0 : i32
    %c0_i32_0 = arith.constant 0 : i32
    return %arg0, %c0_i32 : i32, i32
  }
}

</mosaic_0001>

<sc_bundles>
// kernel: kernel.5.cloned.1.call-start
scs
__scs_entry_jumppad:
0x0: {  	(pc) =	sbr.rel $0x88, $3  }
0x1: {  	(tag) =	ssettag $0x0;
	lr =	simm.s32 $0x1  }
0x2: {  	[smem:$0x3F99] =	sst lr;
	_ =	strace $0xD0000000  }
0x3: {  	_ = 	snop  }
0x4: {  	_ = 	snop  }
0x5: {  	_ = 	snop  }
0x6: {  	_ = 	snop  }
0x7: {  	_ = 	snop  }
__scs_overlays_trampoline_lowered:
0x8: {  	[smem:$0x3FA8] =	sst s0  }
0x9: {  	[smem:$0x3FA9] =	sst s1  }
0xa: {  	[smem:$0x3FAA] =	sst s2  }
0xb: {  	[smem:$0x3FAB] =	sst s3  }
0xc: {  	[smem:$0x3FAC] =	sst s4  }
0xd: {  	[smem:$0x3FAD] =	sst s5  }
0xe: {  	[smem:$0x3FAE] =	sst s6  }
0xf: {  	[smem:$0x3FAF] =	sst s7  }
0x10: {  	[smem:$0x3FB0] =	sst s8  }
0x11: {  	[smem:$0x3FB1] =	sst s9;
	s0 =	simm.s32 @!p0 $0x0  }
0x12: {  	s1 =	sld [smem:$0x3F97];
	s0 =	simm.s32 @p0 $0x1  }
0x13: {  	[smem:$0x3FB2] =	sst s0;
	s0 =	simm.s32 @!p1 $0x0  }
0x14: {  	s2 =	sld [smem:$0x3F96];
	s0 =	simm.s32 @p1 $0x1  }
0x15: {  	[smem:$0x3FB3] =	sst s0;
	s0 =	simm.s32 @!p2 $0x0  }
0x16: {  	s3 =	sld [smem:$0x3FDB];
	s0 =	simm.s32 @p2 $0x1  }
0x17: {  	s4 =	simm.s32 $0x1BF5;
	[smem:$0x3FB5] =	sst s0  }
0x18: {  	s0 =	sld [smem:$0x3F98];
	_ =	swait.ge [sflag:s4], $0x0  }
0x19: {  	s7 =	sld [smem:$0x3F99]  }
0x1a: {  	s8 =	sadd.s32 $0xFFFFE003, lr  }
0x1b: {  	s9 =	sadd.s32 $0xFFFFFEF7, lr;
	s5 =	simm.s32 $0xFFFFFFFF;
	p2 =	slt.u32 s8, $0xFFFFF086  }
0x1c: {  	p1 =	slt.u32 s9, $0xF7A;
	s5 =	simm.s32 @!p2 $0x0  }
0x1d: {  	s5 =	simm.s32 @p1 $0x1;
	p0 =	seq.s32 s7, s2  }
0x1e: {  	s7 =	smul.u32 @!p0 $0xF7A, s2;
	p2 =	seq.s32 @!p0 s5, $0x0  }
0x1f: {  	s9 =	smul.u32 $0xF7A, s1;
	s8 =	simm.s32 @!p0 $0x1BF5;
	p2 =	por !p2, p0  }
0x20: {  	[sflag:s8] =	ssyncset.s32 @!p0 $0xFFFFF086;
	s6 =	sadd.s32 @!p0 s3, s7;
	s7 =	simm.s32 @!p0 $0x108  }
0x21: {  	s3 =	sadd.s32 s3, s9;
	s6 =	sadd.s32 @!p0 $0x88, s6;
	s7 =	simm.s32 @p2 $0x1082  }
0x22: {  	[simem:s7], [sflag:s8] =	dma.local @!p0 [hbm:s6], $0xF7A  }
0x23: {  	s9 =	sor.u32 $0xD0000000, s2;
	s6 =	simm.s32 $0x108;
	_ =	swait.ge @!p0 [sflag:s8], $0x0  }
0x24: {  	s3 =	sadd.s32 $0x88, s3;
	s6 =	simm.s32 @!p1 $0x1082;
	[sflag:s4] =	ssyncset.s32 $0xFFFFF086  }
0x25: {  	[simem:s6], [sflag:s4] =	dma.local [hbm:s3], $0xF7A  }
0x26: {  	[smem:$0x3F99] =	sst s1;
	(tag) =	ssettag s2;
	_ =	strace s9  }
0x27: {  	s1 =	sld [smem:$0x3FA9]  }
0x28: {  	s2 =	sld [smem:$0x3FAA]  }
0x29: {  	s4 =	sld [smem:$0x3FAC]  }
0x2a: {  	p0 =	seq.s32 s5, $0x0;
	s5 =	sld [smem:$0x3FAD]  }
0x2b: {  	s6 =	sld [smem:$0x3FAE]  }
0x2c: {  	s7 =	sld [smem:$0x3FAF]  }
0x2d: {  	s3 =	simm.s32 $0x108;
	s8 =	sld [smem:$0x3FB0]  }
0x2e: {  	s3 =	simm.s32 @!p0 $0x1082;
	s9 =	sld [smem:$0x3FB1]  }
0x2f: {  	lr =	sadd.s32 s0, s3;
	s0 =	sld [smem:$0x3FA8]  }
0x30: {  	s3 =	sld [smem:$0x3FAB]  }
0x31: {  	[smem:$0x3FB4] =	sst s10  }
0x32: {  	s10 =	sld [smem:$0x3FB2];
	_ =	sdelay $0x3  }
0x33: {  	p0 =	seq.s32 s10, $0x1;
	s10 =	sld [smem:$0x3FB4];
	_ =	sdelay $0x3  }
0x34: {  	[smem:$0x3FB4] =	sst s10  }
0x35: {  	s10 =	sld [smem:$0x3FB3];
	_ =	sdelay $0x3  }
0x36: {  	p1 =	seq.s32 s10, $0x1;
	s10 =	sld [smem:$0x3FB4];
	_ =	sdelay $0x3  }
0x37: {  	[smem:$0x3FB4] =	sst s10  }
0x38: {  	s10 =	sld [smem:$0x3FB5]  }
0x39: {  	_ = 	snop;
	(pc) =	sbr.ind lr, $3  }
0x3a: {  	_ = 	snop  }
0x3b: {  	_ = 	snop  }
0x3c: {  	p2 =	seq.s32 s10, $0x1;
	s10 =	sld [smem:$0x3FB4]  }
0x3d: {  	_ =	shalt  }
0x3e: {  	_ =	shalt  }
0x3f: {  	_ =	shalt  }
0x40: {  	_ =	shalt  }
0x41: {  	_ =	shalt  }
0x42: {  	_ =	shalt  }
0x43: {  	_ =	shalt  }
0x44: {  	_ =	shalt  }
0x45: {  	_ =	shalt  }
0x46: {  	_ =	shalt  }
0x47: {  	_ =	shalt  }
0x48: {  	_ =	shalt  }
0x49: {  	_ =	shalt  }
0x4a: {  	_ =	shalt  }
0x4b: {  	_ =	shalt  }
0x4c: {  	_ =	shalt  }
0x4d: {  	_ =	shalt  }
0x4e: {  	_ =	shalt  }
0x4f: {  	_ =	shalt  }
0x50: {  	_ =	shalt  }
0x51: {  	_ =	shalt  }
0x52: {  	_ =	shalt  }
0x53: {  	_ =	shalt  }
0x54: {  	_ =	shalt  }
0x55: {  	_ =	shalt  }
0x56: {  	_ =	shalt  }
0x57: {  	_ =	shalt  }
0x58: {  	_ =	shalt  }
0x59: {  	_ =	shalt  }
0x5a: {  	_ =	shalt  }
0x5b: {  	_ =	shalt  }
0x5c: {  	_ =	shalt  }
0x5d: {  	_ =	shalt  }
0x5e: {  	_ =	shalt  }
0x5f: {  	_ =	shalt  }
0x60: {  	_ =	shalt  }
0x61: {  	_ =	shalt  }
0x62: {  	_ =	shalt  }
0x63: {  	_ =	shalt  }
0x64: {  	_ =	shalt  }
0x65: {  	_ =	shalt  }
0x66: {  	_ =	shalt  }
0x67: {  	_ =	shalt  }
0x68: {  	_ =	shalt  }
0x69: {  	_ =	shalt  }
0x6a: {  	_ =	shalt  }
0x6b: {  	_ =	shalt  }
0x6c: {  	_ =	shalt  }
0x6d: {  	_ =	shalt  }
0x6e: {  	_ =	shalt  }
0x6f: {  	_ =	shalt  }
0x70: {  	_ =	shalt  }
0x71: {  	_ =	shalt  }
0x72: {  	_ =	shalt  }
0x73: {  	_ =	shalt  }
0x74: {  	_ =	shalt  }
0x75: {  	_ =	shalt  }
0x76: {  	_ =	shalt  }
0x77: {  	_ =	shalt  }
0x78: {  	_ =	shalt  }
0x79: {  	_ =	shalt  }
0x7a: {  	_ =	shalt  }
0x7b: {  	_ =	shalt  }
0x7c: {  	_ =	shalt  }
0x7d: {  	_ =	shalt  }
0x7e: {  	_ =	shalt  }
0x7f: {  	_ =	shalt  }
0x80: {  	_ =	shalt  }
0x81: {  	_ =	shalt  }
0x82: {  	_ =	shalt  }
0x83: {  	_ =	shalt  }
0x84: {  	_ =	shalt  }
0x85: {  	_ =	shalt  }
0x86: {  	_ =	shalt  }
0x87: {  	_ =	shalt  }
.Lfunc_end0:
.L_simem_size_0:
called_computation_lowered:
.L_overlay_start_0:
0x88: {  	s2 =	sld [smem:$0x3FD9]  }
0x89: {  	s3 =	sld [smem:$0x3FFE];
	_ =	sdelay $0x1  }
0x8a: {  	s1 =	srdreg.scid  }
0x8b: {  	s0 =	sand.u32 $0x1, s1  }
0x8c: {  	s17 =	sshll.u32 s0, $0xA;
	s2 =	sadd.s32 s3, s2  }
0x8d: {  	s2 =	sadd.s32 s2, s17  }
0x8e: {  	[smem:$0x3FC0] =	sst s2  }
0x8f: {  	_ = 	snop  }
0x90: {  	s2 =	sld [smem:$0x3FC7]  }
0x91: {  	s18 =	sld [smem:$0x3FC6]  }
0x92: {  	s4 =	sld [smem:$0x3FD0];
	(tm) =	ssettm $0x1  }
0x93: {  	s5 =	sld [smem:$0x3FFB];
	_ =	sdelay $0x3  }
0x94: {  	_ =	strace s5  }
0x95: {  	s5 =	sld [smem:$0x3FFC];
	_ =	sdelay $0x3  }
0x96: {  	_ =	strace s5  }
0x97: {  	s5 =	sld [smem:$0x3FFD];
	_ =	sdelay $0x3  }
0x98: {  	_ =	strace s5  }
0x99: {  	_ =	strace $0x8FFFFFFF  }
0x9a: {  	s19 =	sld [smem:$0x3FDB];
	_ =	sdelay $0x1  }
0x9b: {  	s6 =	simm.s32 $_scs_section_size  }
0x9c: {  	s7 =	simm.s32 $_size__tile_overlayer_lowered;
	s8 =	simm.s32 $_tile_overlayer_lowered  }
0x9d: {  	s22 =	simm.s32 $0x1BFF;
	s21 =	sshll.u32 s8, $0x1;
	s5 =	sadd.s32 s6, s19  }
0x9e: {  	s9 =	simm.s32 $0x0;
	s20 =	sshll.u32 s7, $0x1;
	s7 =	sadd.s32 s21, s5  }
0x9f: {  	[timem:s9], [sflag:s22] =	dma.local [hbm:s7], s20  }
0xa0: {  	_ =	swait.ge [sflag:s22], s20  }
0xa1: {  	s6 =	ssub.s32 $0x0, s20;
	[sflag:s22] =	ssyncset.done $0x0  }
0xa2: {  	[sflag:s22] =	ssyncadd.s32 s6;
	_ =	sdelay $0x1  }
0xa3: {  	s23 =	simm.s32 $0x1B8B  }
0xa4: {  	_ =	swait.ge [sflag:s23], $0x1  }
0xa5: {  	[sflag:s23] =	ssyncset.done $0x0  }
0xa6: {  	s25 =	simm.s32 $0x1B8E;
	s24 =	sld [smem:$0x3FFE];
	[sflag:s23] =	ssyncadd.s32 $0xFFFFFFFF  }
0xa7: {  	s26 =	simm.s32 $execute0_lowered;
	[smem:$0x3FD2] =	sst s25  }
0xa8: {  	s7 =	sshll.u32 s26, $0x1;
	_ =	strace $0x80000046;
	[dreg:$0x1] =	wrdreg $0xFFFFFFFF  }
0xa9: {  	s28 =	simm.s32 $_size_execute0_lowered;
	s5 =	sadd.s32 s5, s7;
	[dreg:$0x0] =	wrdreg $0x0  }
0xaa: {  	s7 =	sshll.u32 s28, $0x1;
	[dreg:$0x2] =	wrdreg s5  }
0xab: {  	[dreg:$0x3] =	wrdreg s7  }
0xac: {  	[dreg:$0x4] =	wrdreg $0xC0  }
0xad: {  	_ =	task [dreg:s9], $0x5FFFF  }
0xae: {  	[dreg:$0x1] =	wrdreg $0xFFFFFFFF  }
0xaf: {  	[dreg:$0x0] =	wrdreg $0x60  }
0xb0: {  	[dreg:$0x2] =	wrdreg s24  }
0xb1: {  	[dreg:$0x3] =	wrdreg s4  }
0xb2: {  	[dreg:$0x4] =	wrdreg s2  }
0xb3: {  	[dreg:$0x5] =	wrdreg s18  }
0xb4: {  	[dreg:$0x6] =	wrdreg $0xA9800  }
0xb5: {  	[dreg:$0x7] =	wrdreg $0x9  }
0xb6: {  	_ =	task.clear_ibuf [dreg:s9], $0x8FFFF;
	_ =	strace $0x90000046  }
0xb7: {  	s29 =	simm.s32 $0x9;
	_ =	strace $0x80000048  }
0xb8: {  	_ =	swait.ge [sflag:s29], $0x1  }
0xb9: {  	[sflag:s29] =	ssyncadd.s32 $0xFFFFFFFF  }
0xba: {  	_ =	strace $0x90000048  }
0xbb: {  	_ =	sfence  }
0xbc: {  	s30 =	sld [smem:$0x0];
	_ =	sdelay $0x2  }
0xbd: {  	s31 =	sshll.u32 s1, $0xD;
	s1 =	sshrl.u32 s1, $0x2  }
0xbe: {  	s3 =	sand.u32 $0x4000, s31;
	s1 =	sadd.s32 s1, s30  }
0xbf: {  	s0 =	sor.u32 s3, s0;
	s1 =	sshll.u32 s1, $0x11  }
0xc0: {  	s0 =	sor.u32 s1, s0  }
0xc1: {  	s0 =	sadd.s32 $0x8F2B, s0  }
0xc2: {  	[sflag:s0] =	ssyncadd.remote.s32 $0x1  }
0xc3: {  	_ =	sfence.sel $0xFFFF  }
0xc4: {  	[dreg:$0x0] =	wrdreg $0xFFFFFFFF;
	(pc) =	sbr.abs _section_cstart, $3  }
0xc5: {  	[dreg:$0x1] =	wrdreg $0xFFFFFFFF  }
0xc6: {  	_ =	task.clear_ibuf [dreg:s9], $0x2FFFF;
	_ =	strace $0x9FFFFFFF  }
0xc7: {  	(tm) =	ssettm $0x7FFFFFFF  }
tec
execute0_lowered:
.L_overlay_start_1:
0x0: {  	(tag) =	ssettag $0x1  }
0x1: {  	s0 =	rddreg [dreg:$0x0]  }
0x2: {  	s1 =	rddreg [dreg:$0x1]  }
0x3: {  	s3 =	rddreg [dreg:$0x2]  }
0x4: {  	s2 =	rddreg [dreg:$0x4]  }
0x5: {  	s4 =	srdreg.scid;
	s6 =	simm.s32 $0x0;
	s10 =	stileid.u32  }
0x6: {  	s30 =	simm.s32 $0x5;
	s31 =	simm.s32 $0x80;
	s18 =	smul.u32 $0x13C00, s10  }
0x7: {  	s4 =	sand.u32 $0x1, s4;
	[smem:$0x7FF] =	sst s6;
	s7 =	smul.u32 $0x2710, s10  }
0x8: {  	s8 =	sadd.s32 $0x600, s0;
	s20 =	smul.u32 $0x4F000, s10;
	s17 =	sadd.s32 $0x276800, s0  }
0x9: {  	s5 =	smul.u32 $0x13C000, s4;
	_ =	strace $0x80000047;
	s19 =	ssub.s32 $0x2, s4  }
0xa: {  	[dreg:$0x15] =	wrdreg s17;
	s17 =	simm.s32 $0x9980;
	s9 =	sshrl.u32 s19, $0x1  }
0xb: {  	s7 =	sshrl.u32 s7, $0x3;
	s5 =	sadd.s32 s18, s5;
	s6 =	ssub.s32 s19, s9  }
0xc: {  	s21 =	sadd.s32 s8, s7;
	s22 =	sadd.s32 s1, s7;
	s23 =	sadd.s32 s3, s7  }
0xd: {  	s24 =	sadd.s32 $0xFA, s7;
	s26 =	sadd.s32 $0x1F4, s7;
	s13 =	sadd.s32 $0x2EE, s7  }
0xe: {  	s7 =	sadd.s32 $0x3E8, s7;
	s19 =	sshrl.u32 s20, $0x2;
	[dreg:$0x6] =	wrdreg s21  }
0xf: {  	s20 =	smul.u32 $0x13880, s4;
	s4 =	simm.s32 $0x3800;
	[dreg:$0x7] =	wrdreg s22  }
0x10: {  	s9 =	simm.s32 $0x4;
	[dreg:$0x8] =	wrdreg s23;
	s11 =	sadd.s32 s8, s24  }
0x11: {  	s5 =	sshrl.u32 s5, $0x3;
	s25 =	sadd.s32 s1, s24;
	[dreg:$0x9] =	wrdreg s11  }
0x12: {  	s10 =	sadd.s32 s3, s24;
	s12 =	sadd.s32 s8, s26;
	[dreg:$0xa] =	wrdreg s25  }
0x13: {  	s14 =	sadd.s32 s8, s13;
	s15 =	sadd.s32 s1, s13;
	[dreg:$0xb] =	wrdreg s10  }
0x14: {  	s8 =	sadd.s32 s8, s7;
	s16 =	sadd.s32 s3, s7;
	[dreg:$0xc] =	wrdreg s12  }
0x15: {  	s21 =	sadd.s32 $0x5800, s0;
	s22 =	sadd.s32 s19, s2;
	[dreg:$0xf] =	wrdreg s14  }
0x16: {  	s24 =	smax.u32 s6, $0x1;
	s6 =	simm.s32 $0x2;
	[dreg:$0x10] =	wrdreg s15  }
0x17: {  	s19 =	simm.s32 $0x0;
	s12 =	sadd.s32 s1, s26;
	[dreg:$0x12] =	wrdreg s8  }
0x18: {  	s11 =	sadd.s32 s3, s26;
	s10 =	sadd.s32 s3, s13;
	[dreg:$0x14] =	wrdreg s16  }
0x19: {  	s1 =	sadd.s32 s1, s7;
	s18 =	sadd.s32 s5, s0;
	[dreg:$0x17] =	wrdreg s24  }
0x1a: {  	s25 =	sadd.s32 $0x4000, s22;
	s26 =	sadd.s32 $0x8000, s22;
	s28 =	sadd.s32 $0xC000, s22  }
0x1b: {  	s29 =	sadd.s32 $0x10000, s22;
	s0 =	simm.s32 $0x6980;
	[dreg:$0xd] =	wrdreg s12  }
0x1c: {  	s3 =	simm.s32 $0x3000;
	s5 =	simm.s32 $0x1;
	[dreg:$0xe] =	wrdreg s11  }
0x1d: {  	s7 =	simm.s32 $0x3;
	s8 =	simm.s32 $0x4000;
	[dreg:$0x11] =	wrdreg s10  }
.Ltmp0:
0x1e: {  	s13 =	simm.s32 $0x7980;
	[dreg:$0x13] =	wrdreg s1;
	(pc) =	sbr.rel .LBB2_1-.Ltmp0, $4  }
0x1f: {  	v1 =	vimm.f32 $0.0e+00;
	v2 =	vlaneseq.u32;
	v3 =	vimm.s32 $0x0;
	s14 =	simm.s32 $0x68C0;
	s15 =	simm.s32 $0x8980;
	[dreg:$0x18] =	wrdreg s25  }
0x20: {  	v4 =	vimm.s32 $0x2710;
	v5 =	vor.u32 $0x10, v2;
	v6 =	vor.u32 $0x20, v2;
	s16 =	simm.s32 $0x68E0;
	s23 =	sadd.s32 $0x276A00, s18;
	[dreg:$0x19] =	wrdreg s26  }
0x21: {  	v7 =	vor.u32 $0x30, v2;
	v8 =	vor.u32 $0x40, v2;
	v9 =	vor.u32 $0x50, v2;
	s1 =	simm.s32 $0x2800;
	s10 =	simm.s32 $0x20;
	s11 =	simm.s32 $0x6880  }
0x22: {  	v10 =	vor.u32 $0x60, v2;
	v11 =	vor.u32 $0x70, v2;
	v0 =	vmov s20;
	s12 =	simm.s32 $0x68A0;
	s18 =	simm.s32 $0x6900;
	[dreg:$0x16] =	wrdreg s23  }
.LBB2_17:
0x23: {  	_ =	sdelay $0x2  }
0x24: {  	[sflag:s30] =	ssyncadd.s32 @p0 $0xFFFFC000  }
0x25: {  	v13 =	vld.idx.msk [tilespmem:v13+s8+$0x0], $0xffff;
	_ =	sdelay $0x2  }
0x26: {  	v14 =	vor.u32 v5, v12;
	_ =	sdelay $0x1  }
0x27: {  	v15 =	vshrl.u32 v13, $0xE;
	v13 =	vand.u32 $0x3FFF, v13  }
0x28: {  	v15 =	vadd.s32 v0, v15;
	[tilespmem:$0x6900] =	vst v13  }
0x29: {  	[tilespmem:$0x6880] =	vst v15  }
0x2a: {  	v13 =	vld.idx.msk [tilespmem:v14+s8+$0x0], $0xffff;
	_ =	sdelay $0x2  }
0x2b: {  	v52 =	vor.u32 v6, v12;
	_ =	sdelay $0x1  }
0x2c: {  	v53 =	vshrl.u32 v13, $0xE;
	v13 =	vand.u32 $0x3FFF, v13  }
0x2d: {  	v15 =	vadd.s32 v0, v53;
	[tilespmem:$0x6910] =	vst v13  }
0x2e: {  	[tilespmem:$0x6890] =	vst v15  }
0x2f: {  	v13 =	vld.idx.msk [tilespmem:v52+s8+$0x0], $0xffff;
	_ =	sdelay $0x2  }
0x30: {  	v54 =	vor.u32 v7, v12;
	_ =	sdelay $0x1  }
0x31: {  	v55 =	vshrl.u32 v13, $0xE;
	v13 =	vand.u32 $0x3FFF, v13  }
0x32: {  	v15 =	vadd.s32 v0, v55;
	[tilespmem:$0x6920] =	vst v13  }
0x33: {  	[tilespmem:$0x68A0] =	vst v15  }
0x34: {  	v13 =	vld.idx.msk [tilespmem:v54+s8+$0x0], $0xffff;
	_ =	sdelay $0x2  }
0x35: {  	v56 =	vor.u32 v8, v12;
	_ =	sdelay $0x1  }
0x36: {  	v57 =	vshrl.u32 v13, $0xE;
	v13 =	vand.u32 $0x3FFF, v13  }
0x37: {  	v15 =	vadd.s32 v0, v57;
	[tilespmem:$0x6930] =	vst v13  }
0x38: {  	[tilespmem:$0x68B0] =	vst v15  }
0x39: {  	v13 =	vld.idx.msk [tilespmem:v56+s8+$0x0], $0xffff;
	_ =	sdelay $0x2  }
0x3a: {  	v58 =	vor.u32 v9, v12;
	_ =	sdelay $0x1  }
0x3b: {  	v59 =	vshrl.u32 v13, $0xE;
	v13 =	vand.u32 $0x3FFF, v13  }
0x3c: {  	v15 =	vadd.s32 v0, v59;
	[tilespmem:$0x6940] =	vst v13  }
0x3d: {  	[tilespmem:$0x68C0] =	vst v15  }
0x3e: {  	v13 =	vld.idx.msk [tilespmem:v58+s8+$0x0], $0xffff;
	_ =	sdelay $0x2  }
0x3f: {  	v60 =	vor.u32 v10, v12;
	_ =	sdelay $0x1  }
0x40: {  	v61 =	vshrl.u32 v13, $0xE;
	v13 =	vand.u32 $0x3FFF, v13  }
0x41: {  	v15 =	vadd.s32 v0, v61;
	[tilespmem:$0x6950] =	vst v13  }
0x42: {  	[tilespmem:$0x68D0] =	vst v15  }
0x43: {  	v13 =	vld.idx.msk [tilespmem:v60+s8+$0x0], $0xffff;
	_ =	sdelay $0x2  }
0x44: {  	v62 =	vor.u32 v11, v12;
	_ =	sdelay $0x1  }
0x45: {  	v14 =	vshrl.u32 v13, $0xE;
	v13 =	vand.u32 $0x3FFF, v13  }
0x46: {  	v14 =	vadd.s32 v0, v14;
	[tilespmem:$0x6960] =	vst v13  }
0x47: {  	[tilespmem:$0x68E0] =	vst v14  }
0x48: {  	v12 =	vld.idx.msk [tilespmem:v62+s8+$0x0], $0xffff;
	_ =	sdelay $0x4  }
0x49: {  	v63 =	vshrl.u32 v12, $0xE;
	v12 =	vand.u32 $0x3FFF, v12  }
0x4a: {  	v13 =	vadd.s32 v0, v63;
	[tilespmem:$0x6970] =	vst v12  }
0x4b: {  	[tilespmem:$0x68F0] =	vst v13  }
0x4c: {  	[tilespmem:s0], [sflag:$0x1] =	stream.indirect.gather [hbm4b:s21+s10], $0x80, s11, s10, $0xb8;
	[tilespmem:$0x1E580] =	vst v63  }
0x4d: {  	_ = 	snop  }
0x4e: {  	[tilespmem:s13], [sflag:$0x2] =	stream.indirect.gather [hbm4b:s21+s10], $0x80, s12, s10, $0xb8;
	[tilespmem:$0x1E580] =	vst v63  }
0x4f: {  	_ = 	snop  }
0x50: {  	[tilespmem:s15], [sflag:$0x3] =	stream.indirect.gather [hbm4b:s21+s10], $0x80, s14, s10, $0xb8;
	[tilespmem:$0x1E580] =	vst v63  }
0x51: {  	_ = 	snop  }
0x52: {  	[tilespmem:s17], [sflag:$0x4] =	stream.indirect.gather [hbm4b:s21+s10], $0x80, s16, s10, $0xb8;
	[tilespmem:$0x1E580] =	vst v63  }
0x53: {  	_ =	swait.ge [sflag:s5], $0x1000  }
0x54: {  	[sflag:s5] =	ssyncset.done $0x0  }
0x55: {  	[sflag:s5] =	ssyncadd.s32 $0xFFFFF000  }
0x56: {  	_ =	swait.ge [sflag:s6], $0x1000  }
0x57: {  	[sflag:s6] =	ssyncset.done $0x0  }
0x58: {  	[sflag:s6] =	ssyncadd.s32 $0xFFFFF000  }
0x59: {  	_ =	swait.ge [sflag:s7], $0x1000  }
0x5a: {  	[sflag:s7] =	ssyncset.done $0x0  }
0x5b: {  	[sflag:s7] =	ssyncadd.s32 $0xFFFFF000  }
0x5c: {  	_ =	swait.ge [sflag:s9], $0x1000  }
0x5d: {  	[sflag:s9] =	ssyncset.done $0x0  }
0x5e: {  	[sflag:s9] =	ssyncadd.s32 $0xFFFFF000  }
0x5f: {  	[spmem:s2] =	stream.indirect.scatter.add.f32 [tilespmem:s0], [sflag:$0x5], $0x80, s18, s31, $0xb8;
	[tilespmem:$0x1E580] =	vst v63  }
0x60: {  	_ =	swait.ge [sflag:s30], $0x4000  }
0x61: {  	[sflag:s30] =	ssyncset.done $0x0  }
0x62: {  	[sflag:s30] =	ssyncadd.s32 $0xFFFFC000  }
.LBB2_18:
0x63: {  	s20 =	stileid.u32  }
0x64: {  	[bflag:$0x0] =	sbarrier.arrive $0xFFFF;
	s20 =	sshll.u32 s20, $0x6  }
0x65: {  	s23 =	sshrl.u32 s22, $0x3;
	s24 =	rddreg [dreg:$0x16];
	s20 =	sor.u32 $0x1C05, s20  }
0x66: {  	[hbm:s24], [sflag:s20] =	dma.local [spmem:s23], $0x2780  }
0x67: {  	_ =	swait.ge [sflag:s30], $0x2780  }
0x68: {  	s19 =	sadd.s32 $0x1, s19;
	s26 =	rddreg [dreg:$0x17]  }
0x69: {  	p0 =	sne.s32 s19, s26  }
.Ltmp1:
0x6a: {  	_ = 	snop;
	(pc) =	sbr.rel @!p0 .LBB2_19-.Ltmp1, $3  }
0x6b: {  	_ =	sdelay $0x1  }
0x6c: {  	[sflag:s30] =	ssyncset.done $0x0  }
0x6d: {  	[sflag:s30] =	ssyncadd.s32 $0xFFFFD880  }
.LBB2_1:
0x6e: {  	s23 =	simm.s32 $0x0;
	s20 =	rddreg [dreg:$0x15]  }
0x6f: {  	[tilespmem:s23], [sflag:$0x5] =	stream.linear.gather [hbm4b:s20+s23], $0x80, $0x38;
	[tilespmem:$0x1E580] =	vst v63  }
0x70: {  	_ =	swait.ge [sflag:s30], $0x80  }
0x71: {  	[sflag:s30] =	ssyncset.done $0x0  }
0x72: {  	[sflag:s30] =	ssyncadd.s32 $0xFFFFFF80  }
0x73: {  	s26 =	rddreg [dreg:$0x3]  }
0x74: {  	[tilespmem:s31], [sflag:$0x5] =	stream.linear.gather [hbm4b:s26+s23], $0x2780, $0x38;
	[tilespmem:$0x1E580] =	vst v63  }
0x75: {  	_ =	swait.ge [sflag:s30], $0x2780  }
0x76: {  	[sflag:s30] =	ssyncset.done $0x0  }
0x77: {  	s20 =	simm.s32 $0x0;
	s23 =	simm.s32 $0x200;
	[sflag:s30] =	ssyncadd.s32 $0xFFFFD880  }
.LBB2_2:
0x78: {  	p0 =	sne.s32 s23, $0xFE00;
	[tilespmem:s20+$0x69F0] =	vst v1  }
0x79: {  	[tilespmem:s20+$0x6980] =	vst v1  }
0x7a: {  	[tilespmem:s20+$0x6990] =	vst v1  }
.Ltmp2:
0x7b: {  	[tilespmem:s20+$0x69A0] =	vst v1;
	(pc) =	sbr.rel @p0 .LBB2_2-.Ltmp2, $4  }
0x7c: {  	[tilespmem:s20+$0x69B0] =	vst v1  }
0x7d: {  	[tilespmem:s20+$0x69C0] =	vst v1  }
0x7e: {  	[tilespmem:s20+$0x69D0] =	vst v1  }
0x7f: {  	[tilespmem:s20+$0x69E0] =	vst v1;
	s20 =	sshra.s32 s23, $0x2;
	s23 =	sadd.s32 $0x200, s23  }
0x80: {  	[tilespmem:s20+$0x69F0] =	vst v1  }
0x81: {  	[tilespmem:s20+$0x6980] =	vst v1  }
0x82: {  	[tilespmem:s20+$0x6990] =	vst v1  }
0x83: {  	[tilespmem:s20+$0x69A0] =	vst v1  }
0x84: {  	[tilespmem:s20+$0x69B0] =	vst v1  }
0x85: {  	[tilespmem:s20+$0x69C0] =	vst v1  }
0x86: {  	[tilespmem:s20+$0x69D0] =	vst v1  }
0x87: {  	[tilespmem:s20+$0x69E0] =	vst v1  }
0x88: {  	[spmem:s22] =	stream.linear.scatter [tilespmem:s0], [sflag:$0x4], $0x4000, $0x38;
	[tilespmem:$0x1E580] =	vst v63  }
0x89: {  	s23 =	rddreg [dreg:$0x18]  }
0x8a: {  	[spmem:s23] =	stream.linear.scatter [tilespmem:s0], [sflag:$0x4], $0x4000, $0x38;
	[tilespmem:$0x1E580] =	vst v63  }
0x8b: {  	s24 =	rddreg [dreg:$0x19]  }
0x8c: {  	[spmem:s24] =	stream.linear.scatter [tilespmem:s0], [sflag:$0x4], $0x4000, $0x38;
	[tilespmem:$0x1E580] =	vst v63  }
0x8d: {  	_ = 	snop  }
0x8e: {  	[spmem:s28] =	stream.linear.scatter [tilespmem:s0], [sflag:$0x4], $0x4000, $0x38;
	[tilespmem:$0x1E580] =	vst v63  }
0x8f: {  	_ = 	snop  }
0x90: {  	[spmem:s29] =	stream.linear.scatter [tilespmem:s0], [sflag:$0x4], $0x3C00, $0x38;
	[tilespmem:$0x1E580] =	vst v63  }
0x91: {  	s20 =	simm.s32 $0x0;
	s23 =	rddreg [dreg:$0x6]  }
0x92: {  	v12 =	vld [tilespmem:$0x0];
	[tilespmem:s1], [sflag:$0x1] =	stream.linear.gather [hbm4b:s23+s20], $0x7D0, $0x38  }
0x93: {  	s25 =	rddreg [dreg:$0x7]  }
0x94: {  	[tilespmem:s3], [sflag:$0x2] =	stream.linear.gather [hbm4b:s25+s20], $0x7D0, $0x38;
	[tilespmem:$0x1E580] =	vst v63  }
0x95: {  	s26 =	rddreg [dreg:$0x8]  }
0x96: {  	[tilespmem:s4], [sflag:$0x3] =	stream.linear.gather [hbm4b:s26+s20], $0x7D0, $0x38;
	[tilespmem:$0x1E580] =	vst v63  }
0x97: {  	_ =	swait.ge [sflag:s5], $0x7D0  }
0x98: {  	[sflag:s5] =	ssyncset.done $0x0  }
0x99: {  	[sflag:s5] =	ssyncadd.s32 $0xFFFFF830  }
0x9a: {  	_ =	swait.ge [sflag:s6], $0x7D0  }
0x9b: {  	[sflag:s6] =	ssyncset.done $0x0  }
0x9c: {  	[sflag:s6] =	ssyncadd.s32 $0xFFFFF830  }
0x9d: {  	_ =	swait.ge [sflag:s7], $0x7D0  }
0x9e: {  	[sflag:s7] =	ssyncset.done $0x0  }
0x9f: {  	s25 =	simm.s32 $0x0;
	[sflag:s7] =	ssyncadd.s32 $0xFFFFF830  }
0xa0: {  	v14 =	vld [tilespmem:s25+$0x3000]  }
0xa1: {  	v15 =	vld [tilespmem:s25+$0x2800];
	_ =	sdelay $0x6  }
0xa2: {  	v16 =	vld.idx.msk [tilespmem:v14+s31+$0x0], $0xffff  }
0xa3: {  	v17 =	vld.idx.msk [tilespmem:v15+s31+$0x0], $0xffff;
	_ =	sdelay $0x3  }
0xa4: {  	v13 =	vadd.s32 $0xFFFFFFFF, v12  }
0xa5: {  	vm0 =	veq.s32 v17, v12;
	vm1 =	veq.s32 v16, v13  }
0xa6: {  	vm0 =	vmand vm0, vm1  }
0xa7: {  	v16 =	vsel vm0, $0x1, v3  }
0xa8: {  	(xrf0) =	vadd.scan.msk.s32 $0xffff, v16;
	_ =	sdelay $0x1  }
0xa9: {  	s24 =	simm.s32 $0x80;
	s23 =	simm.s32 $0x40;
	v16 =	vld [tilespmem:s25+$0x3800]  }
.LBB2_4:
0xaa: {  	p0 =	sne.s32 s24, $0x1F00;
	_ =	sdelay $0x1  }
0xab: {  	v17 =	vsel vm0, $0xFFFFFFFF, v3  }
0xac: {  	v17 =	vadd.s32 s20, v17;
	v18, _, _ =	vpop (xrf0)  }
0xad: {  	v16 =	vmul.u32 $0x2710, v16;
	v17 =	vadd.s32 v18, v17;
	(v2sf) =	vpush v18, $0xF;
	_ =	sdelay $0x1  }
0xae: {  	v15 =	vadd.s32 v15, v16  }
0xaf: {  	v15 =	vshll.u32 v15, $0xE  }
0xb0: {  	v14 =	vor.u32 v14, v15  }
0xb1: {  	s25 =	sshra.s32 s23, $0x2;
	s23 =	smov.u32 s24;
	[tilespmem:v17+s8+$0x0] =	vst.idx.msk vm0, v14  }
0xb2: {  	v14 =	vld [tilespmem:s25+$0x3000]  }
0xb3: {  	v15 =	vld [tilespmem:s25+$0x2800];
	_ =	sdelay $0x6  }
0xb4: {  	v16 =	vld.idx.msk [tilespmem:v14+s31+$0x0], $0xffff  }
0xb5: {  	v17 =	vld.idx.msk [tilespmem:v15+s31+$0x0], $0xffff;
	s26 =	spop (v2sf)  }
0xb6: {  	s20 =	sadd.s32 s20, s26;
	_ =	sdelay $0x4  }
0xb7: {  	vm1 =	veq.s32 v16, v13;
	vm0 =	veq.s32 v17, v12  }
.Ltmp3:
0xb8: {  	vm0 =	vmand vm0, vm1;
	(pc) =	sbr.rel @p0 .LBB2_4-.Ltmp3, $3  }
0xb9: {  	v16 =	vsel vm0, $0x1, v3  }
0xba: {  	(xrf0) =	vadd.scan.msk.s32 $0xffff, v16;
	_ =	sdelay $0x1  }
0xbb: {  	s24 =	sadd.s32 $0x40, s24;
	v16 =	vld [tilespmem:s25+$0x3800]  }
0xbc: {  	_ =	sdelay $0x1  }
0xbd: {  	v17 =	vsel vm0, $0xFFFFFFFF, v3  }
0xbe: {  	v17 =	vadd.s32 s20, v17;
	v18, _, _ =	vpop (xrf0)  }
0xbf: {  	v16 =	vmul.u32 $0x2710, v16;
	v17 =	vadd.s32 v18, v17;
	_ =	sdelay $0x1  }
0xc0: {  	v15 =	vadd.s32 v15, v16  }
0xc1: {  	v15 =	vshll.u32 v15, $0xE  }
0xc2: {  	v14 =	vor.u32 v14, v15  }
0xc3: {  	s23 =	sshra.s32 s23, $0x2;
	[tilespmem:v17+s8+$0x0] =	vst.idx.msk vm0, v14  }
0xc4: {  	v14 =	vld [tilespmem:s23+$0x3000]  }
0xc5: {  	v15 =	vld [tilespmem:s23+$0x2800];
	_ =	sdelay $0x6  }
0xc6: {  	v16 =	vld.idx.msk [tilespmem:v14+s31+$0x0], $0xffff  }
0xc7: {  	v17 =	vld.idx.msk [tilespmem:v15+s31+$0x0], $0xffff  }
0xc8: {  	(v2sf) =	vpush v18, $0xF;
	_ =	sdelay $0x3  }
0xc9: {  	vm0 =	veq.s32 v17, v12;
	vm1 =	veq.s32 v16, v13  }
0xca: {  	vm0 =	vmand vm0, vm1  }
0xcb: {  	v16 =	vsel vm0, $0x1, v3  }
0xcc: {  	(xrf0) =	vadd.scan.msk.s32 $0xffff, v16;
	_ =	sdelay $0x5  }
0xcd: {  	v17 =	vld [tilespmem:s23+$0x3800];
	v16, _, _ =	vpop (xrf0)  }
0xce: {  	(v2sf) =	vpush v16, $0xF  }
0xcf: {  	s25 =	spop (v2sf)  }
0xd0: {  	s20 =	sadd.s32 s20, s25;
	v18 =	vsel vm0, $0xFFFFFFFF, v3  }
0xd1: {  	v18 =	vadd.s32 s20, v18  }
0xd2: {  	v17 =	vmul.u32 $0x2710, v17;
	v16 =	vadd.s32 v16, v18;
	_ =	sdelay $0x1  }
0xd3: {  	v15 =	vadd.s32 v15, v17  }
0xd4: {  	v15 =	vshll.u32 v15, $0xE  }
0xd5: {  	v14 =	vor.u32 v14, v15  }
0xd6: {  	s26 =	simm.s32 $0x0;
	s24 =	rddreg [dreg:$0x9];
	[tilespmem:v16+s8+$0x0] =	vst.idx.msk vm0, v14  }
0xd7: {  	[tilespmem:s1], [sflag:$0x1] =	stream.linear.gather [hbm4b:s24+s26], $0x7D0, $0x38;
	[tilespmem:$0x1E580] =	vst v63  }
0xd8: {  	s25 =	rddreg [dreg:$0xa]  }
0xd9: {  	[tilespmem:s3], [sflag:$0x2] =	stream.linear.gather [hbm4b:s25+s26], $0x7D0, $0x38;
	[tilespmem:$0x1E580] =	vst v63  }
0xda: {  	s25 =	rddreg [dreg:$0xb]  }
0xdb: {  	[tilespmem:s4], [sflag:$0x3] =	stream.linear.gather [hbm4b:s25+s26], $0x7D0, $0x38;
	[tilespmem:$0x1E580] =	vst v63  }
0xdc: {  	s24 =	spop (v2sf)  }
0xdd: {  	_ =	swait.ge [sflag:s5], $0x7D0  }
0xde: {  	[sflag:s5] =	ssyncset.done $0x0  }
0xdf: {  	[sflag:s5] =	ssyncadd.s32 $0xFFFFF830  }
0xe0: {  	_ =	swait.ge [sflag:s6], $0x7D0  }
0xe1: {  	[sflag:s6] =	ssyncset.done $0x0  }
0xe2: {  	[sflag:s6] =	ssyncadd.s32 $0xFFFFF830  }
0xe3: {  	_ =	swait.ge [sflag:s7], $0x7D0  }
0xe4: {  	[sflag:s7] =	ssyncset.done $0x0  }
0xe5: {  	s26 =	simm.s32 $0x0;
	[sflag:s7] =	ssyncadd.s32 $0xFFFFF830  }
0xe6: {  	v14 =	vld [tilespmem:s26+$0x3000]  }
0xe7: {  	v15 =	vld [tilespmem:s26+$0x2800];
	_ =	sdelay $0x6  }
0xe8: {  	v16 =	vld.idx.msk [tilespmem:v14+s31+$0x0], $0xffff  }
0xe9: {  	v17 =	vld.idx.msk [tilespmem:v15+s31+$0x0], $0xffff;
	_ =	sdelay $0x4  }
0xea: {  	vm0 =	veq.s32 v17, v12;
	vm1 =	veq.s32 v16, v13  }
0xeb: {  	vm0 =	vmand vm0, vm1  }
0xec: {  	v16 =	vsel vm0, $0x1, v3  }
0xed: {  	(xrf0) =	vadd.scan.msk.s32 $0xffff, v16;
	_ =	sdelay $0x1  }
0xee: {  	s23 =	simm.s32 $0x40;
	s20 =	sadd.s32 s20, s24;
	s24 =	simm.s32 $0x80;
	v16 =	vld [tilespmem:s26+$0x3800]  }
.LBB2_6:
0xef: {  	p0 =	sne.s32 s24, $0x1F00;
	_ =	sdelay $0x1  }
0xf0: {  	v17 =	vsel vm0, $0xFFFFFFFF, v3  }
0xf1: {  	v17 =	vadd.s32 s20, v17;
	v18, _, _ =	vpop (xrf0)  }
0xf2: {  	v16 =	vmul.u32 $0x2710, v16;
	v17 =	vadd.s32 v18, v17;
	(v2sf) =	vpush v18, $0xF;
	_ =	sdelay $0x1  }
0xf3: {  	v15 =	vadd.s32 v15, v16  }
0xf4: {  	v15 =	vshll.u32 v15, $0xE  }
0xf5: {  	v14 =	vor.u32 v14, v15  }
0xf6: {  	s25 =	sshra.s32 s23, $0x2;
	s23 =	smov.u32 s24;
	[tilespmem:v17+s8+$0x0] =	vst.idx.msk vm0, v14  }
0xf7: {  	v14 =	vld [tilespmem:s25+$0x3000]  }
0xf8: {  	v15 =	vld [tilespmem:s25+$0x2800];
	_ =	sdelay $0x6  }
0xf9: {  	v16 =	vld.idx.msk [tilespmem:v14+s31+$0x0], $0xffff  }
0xfa: {  	v17 =	vld.idx.msk [tilespmem:v15+s31+$0x0], $0xffff;
	s26 =	spop (v2sf)  }
0xfb: {  	s20 =	sadd.s32 s20, s26;
	_ =	sdelay $0x4  }
0xfc: {  	vm1 =	veq.s32 v16, v13;
	vm0 =	veq.s32 v17, v12  }
.Ltmp4:
0xfd: {  	vm0 =	vmand vm0, vm1;
	(pc) =	sbr.rel @p0 .LBB2_6-.Ltmp4, $3  }
0xfe: {  	v16 =	vsel vm0, $0x1, v3  }
0xff: {  	(xrf0) =	vadd.scan.msk.s32 $0xffff, v16;
	_ =	sdelay $0x1  }
0x100: {  	s24 =	sadd.s32 $0x40, s24;
	v16 =	vld [tilespmem:s25+$0x3800]  }
0x101: {  	_ =	sdelay $0x1  }
0x102: {  	v17 =	vsel vm0, $0xFFFFFFFF, v3  }
0x103: {  	v17 =	vadd.s32 s20, v17;
	v18, _, _ =	vpop (xrf0)  }
0x104: {  	v16 =	vmul.u32 $0x2710, v16;
	v17 =	vadd.s32 v18, v17;
	_ =	sdelay $0x1  }
0x105: {  	v15 =	vadd.s32 v15, v16  }
0x106: {  	v15 =	vshll.u32 v15, $0xE  }
0x107: {  	v14 =	vor.u32 v14, v15  }
0x108: {  	s23 =	sshra.s32 s23, $0x2;
	[tilespmem:v17+s8+$0x0] =	vst.idx.msk vm0, v14  }
0x109: {  	v14 =	vld [tilespmem:s23+$0x3000]  }
0x10a: {  	v15 =	vld [tilespmem:s23+$0x2800];
	_ =	sdelay $0x6  }
0x10b: {  	v16 =	vld.idx.msk [tilespmem:v14+s31+$0x0], $0xffff  }
0x10c: {  	v17 =	vld.idx.msk [tilespmem:v15+s31+$0x0], $0xffff  }
0x10d: {  	(v2sf) =	vpush v18, $0xF;
	_ =	sdelay $0x3  }
0x10e: {  	vm0 =	veq.s32 v17, v12;
	vm1 =	veq.s32 v16, v13  }
0x10f: {  	vm0 =	vmand vm0, vm1  }
0x110: {  	v16 =	vsel vm0, $0x1, v3  }
0x111: {  	(xrf0) =	vadd.scan.msk.s32 $0xffff, v16;
	_ =	sdelay $0x5  }
0x112: {  	v17 =	vld [tilespmem:s23+$0x3800];
	v16, _, _ =	vpop (xrf0)  }
0x113: {  	(v2sf) =	vpush v16, $0xF  }
0x114: {  	s25 =	spop (v2sf)  }
0x115: {  	s20 =	sadd.s32 s20, s25;
	v18 =	vsel vm0, $0xFFFFFFFF, v3  }
0x116: {  	v18 =	vadd.s32 s20, v18  }
0x117: {  	v17 =	vmul.u32 $0x2710, v17;
	v16 =	vadd.s32 v16, v18;
	_ =	sdelay $0x1  }
0x118: {  	v15 =	vadd.s32 v15, v17  }
0x119: {  	v15 =	vshll.u32 v15, $0xE  }
0x11a: {  	v14 =	vor.u32 v14, v15  }
0x11b: {  	s26 =	simm.s32 $0x0;
	s24 =	rddreg [dreg:$0xc];
	[tilespmem:v16+s8+$0x0] =	vst.idx.msk vm0, v14  }
0x11c: {  	[tilespmem:s1], [sflag:$0x1] =	stream.linear.gather [hbm4b:s24+s26], $0x7D0, $0x38;
	[tilespmem:$0x1E580] =	vst v63  }
0x11d: {  	s25 =	rddreg [dreg:$0xd]  }
0x11e: {  	[tilespmem:s3], [sflag:$0x2] =	stream.linear.gather [hbm4b:s25+s26], $0x7D0, $0x38;
	[tilespmem:$0x1E580] =	vst v63  }
0x11f: {  	s25 =	rddreg [dreg:$0xe]  }
0x120: {  	[tilespmem:s4], [sflag:$0x3] =	stream.linear.gather [hbm4b:s25+s26], $0x7D0, $0x38;
	[tilespmem:$0x1E580] =	vst v63  }
0x121: {  	s24 =	spop (v2sf)  }
0x122: {  	_ =	swait.ge [sflag:s5], $0x7D0  }
0x123: {  	[sflag:s5] =	ssyncset.done $0x0  }
0x124: {  	[sflag:s5] =	ssyncadd.s32 $0xFFFFF830  }
0x125: {  	_ =	swait.ge [sflag:s6], $0x7D0  }
0x126: {  	[sflag:s6] =	ssyncset.done $0x0  }
0x127: {  	[sflag:s6] =	ssyncadd.s32 $0xFFFFF830  }
0x128: {  	_ =	swait.ge [sflag:s7], $0x7D0  }
0x129: {  	[sflag:s7] =	ssyncset.done $0x0  }
0x12a: {  	s26 =	simm.s32 $0x0;
	[sflag:s7] =	ssyncadd.s32 $0xFFFFF830  }
0x12b: {  	v14 =	vld [tilespmem:s26+$0x3000]  }
0x12c: {  	v15 =	vld [tilespmem:s26+$0x2800];
	_ =	sdelay $0x6  }
0x12d: {  	v16 =	vld.idx.msk [tilespmem:v14+s31+$0x0], $0xffff  }
0x12e: {  	v17 =	vld.idx.msk [tilespmem:v15+s31+$0x0], $0xffff;
	_ =	sdelay $0x4  }
0x12f: {  	vm0 =	veq.s32 v17, v12;
	vm1 =	veq.s32 v16, v13  }
0x130: {  	vm0 =	vmand vm0, vm1  }
0x131: {  	v16 =	vsel vm0, $0x1, v3  }
0x132: {  	(xrf0) =	vadd.scan.msk.s32 $0xffff, v16;
	_ =	sdelay $0x1  }
0x133: {  	s23 =	simm.s32 $0x40;
	s20 =	sadd.s32 s20, s24;
	s24 =	simm.s32 $0x80;
	v16 =	vld [tilespmem:s26+$0x3800]  }
.LBB2_8:
0x134: {  	p0 =	sne.s32 s24, $0x1F00;
	_ =	sdelay $0x1  }
0x135: {  	v17 =	vsel vm0, $0xFFFFFFFF, v3  }
0x136: {  	v17 =	vadd.s32 s20, v17;
	v18, _, _ =	vpop (xrf0)  }
0x137: {  	v16 =	vmul.u32 $0x2710, v16;
	v17 =	vadd.s32 v18, v17;
	(v2sf) =	vpush v18, $0xF;
	_ =	sdelay $0x1  }
0x138: {  	v15 =	vadd.s32 v15, v16  }
0x139: {  	v15 =	vshll.u32 v15, $0xE  }
0x13a: {  	v14 =	vor.u32 v14, v15  }
0x13b: {  	s25 =	sshra.s32 s23, $0x2;
	s23 =	smov.u32 s24;
	[tilespmem:v17+s8+$0x0] =	vst.idx.msk vm0, v14  }
0x13c: {  	v14 =	vld [tilespmem:s25+$0x3000]  }
0x13d: {  	v15 =	vld [tilespmem:s25+$0x2800];
	_ =	sdelay $0x6  }
0x13e: {  	v16 =	vld.idx.msk [tilespmem:v14+s31+$0x0], $0xffff  }
0x13f: {  	v17 =	vld.idx.msk [tilespmem:v15+s31+$0x0], $0xffff;
	s26 =	spop (v2sf)  }
0x140: {  	s20 =	sadd.s32 s20, s26;
	_ =	sdelay $0x4  }
0x141: {  	vm1 =	veq.s32 v16, v13;
	vm0 =	veq.s32 v17, v12  }
.Ltmp5:
0x142: {  	vm0 =	vmand vm0, vm1;
	(pc) =	sbr.rel @p0 .LBB2_8-.Ltmp5, $3  }
0x143: {  	v16 =	vsel vm0, $0x1, v3  }
0x144: {  	(xrf0) =	vadd.scan.msk.s32 $0xffff, v16;
	_ =	sdelay $0x1  }
0x145: {  	s24 =	sadd.s32 $0x40, s24;
	v16 =	vld [tilespmem:s25+$0x3800]  }
0x146: {  	_ =	sdelay $0x1  }
0x147: {  	v17 =	vsel vm0, $0xFFFFFFFF, v3  }
0x148: {  	v17 =	vadd.s32 s20, v17;
	v18, _, _ =	vpop (xrf0)  }
0x149: {  	v16 =	vmul.u32 $0x2710, v16;
	v17 =	vadd.s32 v18, v17;
	_ =	sdelay $0x1  }
0x14a: {  	v15 =	vadd.s32 v15, v16  }
0x14b: {  	v15 =	vshll.u32 v15, $0xE  }
0x14c: {  	v14 =	vor.u32 v14, v15  }
0x14d: {  	s23 =	sshra.s32 s23, $0x2;
	[tilespmem:v17+s8+$0x0] =	vst.idx.msk vm0, v14  }
0x14e: {  	v14 =	vld [tilespmem:s23+$0x3000]  }
0x14f: {  	v15 =	vld [tilespmem:s23+$0x2800];
	_ =	sdelay $0x6  }
0x150: {  	v16 =	vld.idx.msk [tilespmem:v14+s31+$0x0], $0xffff  }
0x151: {  	v17 =	vld.idx.msk [tilespmem:v15+s31+$0x0], $0xffff  }
0x152: {  	(v2sf) =	vpush v18, $0xF;
	_ =	sdelay $0x3  }
0x153: {  	vm0 =	veq.s32 v17, v12;
	vm1 =	veq.s32 v16, v13  }
0x154: {  	vm0 =	vmand vm0, vm1  }
0x155: {  	v16 =	vsel vm0, $0x1, v3  }
0x156: {  	(xrf0) =	vadd.scan.msk.s32 $0xffff, v16;
	_ =	sdelay $0x5  }
0x157: {  	v17 =	vld [tilespmem:s23+$0x3800];
	v16, _, _ =	vpop (xrf0)  }
0x158: {  	(v2sf) =	vpush v16, $0xF  }
0x159: {  	s25 =	spop (v2sf)  }
0x15a: {  	s20 =	sadd.s32 s20, s25;
	v18 =	vsel vm0, $0xFFFFFFFF, v3  }
0x15b: {  	v18 =	vadd.s32 s20, v18  }
0x15c: {  	v17 =	vmul.u32 $0x2710, v17;
	v16 =	vadd.s32 v16, v18;
	_ =	sdelay $0x1  }
0x15d: {  	v15 =	vadd.s32 v15, v17  }
0x15e: {  	v15 =	vshll.u32 v15, $0xE  }
0x15f: {  	v14 =	vor.u32 v14, v15  }
0x160: {  	s26 =	simm.s32 $0x0;
	s24 =	rddreg [dreg:$0xf];
	[tilespmem:v16+s8+$0x0] =	vst.idx.msk vm0, v14  }
0x161: {  	[tilespmem:s1], [sflag:$0x1] =	stream.linear.gather [hbm4b:s24+s26], $0x7D0, $0x38;
	[tilespmem:$0x1E580] =	vst v63  }
0x162: {  	s25 =	rddreg [dreg:$0x10]  }
0x163: {  	[tilespmem:s3], [sflag:$0x2] =	stream.linear.gather [hbm4b:s25+s26], $0x7D0, $0x38;
	[tilespmem:$0x1E580] =	vst v63  }
0x164: {  	s25 =	rddreg [dreg:$0x11]  }
0x165: {  	[tilespmem:s4], [sflag:$0x3] =	stream.linear.gather [hbm4b:s25+s26], $0x7D0, $0x38;
	[tilespmem:$0x1E580] =	vst v63  }
0x166: {  	s24 =	spop (v2sf)  }
0x167: {  	_ =	swait.ge [sflag:s5], $0x7D0  }
0x168: {  	[sflag:s5] =	ssyncset.done $0x0  }
0x169: {  	[sflag:s5] =	ssyncadd.s32 $0xFFFFF830  }
0x16a: {  	_ =	swait.ge [sflag:s6], $0x7D0  }
0x16b: {  	[sflag:s6] =	ssyncset.done $0x0  }
0x16c: {  	[sflag:s6] =	ssyncadd.s32 $0xFFFFF830  }
0x16d: {  	_ =	swait.ge [sflag:s7], $0x7D0  }
0x16e: {  	[sflag:s7] =	ssyncset.done $0x0  }
0x16f: {  	s26 =	simm.s32 $0x0;
	[sflag:s7] =	ssyncadd.s32 $0xFFFFF830  }
0x170: {  	v14 =	vld [tilespmem:s26+$0x3000]  }
0x171: {  	v15 =	vld [tilespmem:s26+$0x2800];
	_ =	sdelay $0x6  }
0x172: {  	v16 =	vld.idx.msk [tilespmem:v14+s31+$0x0], $0xffff  }
0x173: {  	v17 =	vld.idx.msk [tilespmem:v15+s31+$0x0], $0xffff;
	_ =	sdelay $0x4  }
0x174: {  	vm0 =	veq.s32 v17, v12;
	vm1 =	veq.s32 v16, v13  }
0x175: {  	vm0 =	vmand vm0, vm1  }
0x176: {  	v16 =	vsel vm0, $0x1, v3  }
0x177: {  	(xrf0) =	vadd.scan.msk.s32 $0xffff, v16;
	_ =	sdelay $0x1  }
0x178: {  	s23 =	simm.s32 $0x40;
	s20 =	sadd.s32 s20, s24;
	s24 =	simm.s32 $0x80;
	v16 =	vld [tilespmem:s26+$0x3800]  }
.LBB2_10:
0x179: {  	p0 =	sne.s32 s24, $0x1F00;
	_ =	sdelay $0x1  }
0x17a: {  	v17 =	vsel vm0, $0xFFFFFFFF, v3  }
0x17b: {  	v17 =	vadd.s32 s20, v17;
	v18, _, _ =	vpop (xrf0)  }
0x17c: {  	v16 =	vmul.u32 $0x2710, v16;
	v17 =	vadd.s32 v18, v17;
	(v2sf) =	vpush v18, $0xF;
	_ =	sdelay $0x1  }
0x17d: {  	v15 =	vadd.s32 v15, v16  }
0x17e: {  	v15 =	vshll.u32 v15, $0xE  }
0x17f: {  	v14 =	vor.u32 v14, v15  }
0x180: {  	s25 =	sshra.s32 s23, $0x2;
	s23 =	smov.u32 s24;
	[tilespmem:v17+s8+$0x0] =	vst.idx.msk vm0, v14  }
0x181: {  	v14 =	vld [tilespmem:s25+$0x3000]  }
0x182: {  	v15 =	vld [tilespmem:s25+$0x2800];
	_ =	sdelay $0x6  }
0x183: {  	v16 =	vld.idx.msk [tilespmem:v14+s31+$0x0], $0xffff  }
0x184: {  	v17 =	vld.idx.msk [tilespmem:v15+s31+$0x0], $0xffff;
	s26 =	spop (v2sf)  }
0x185: {  	s20 =	sadd.s32 s20, s26;
	_ =	sdelay $0x4  }
0x186: {  	vm1 =	veq.s32 v16, v13;
	vm0 =	veq.s32 v17, v12  }
.Ltmp6:
0x187: {  	vm0 =	vmand vm0, vm1;
	(pc) =	sbr.rel @p0 .LBB2_10-.Ltmp6, $3  }
0x188: {  	v16 =	vsel vm0, $0x1, v3  }
0x189: {  	(xrf0) =	vadd.scan.msk.s32 $0xffff, v16;
	_ =	sdelay $0x1  }
0x18a: {  	s24 =	sadd.s32 $0x40, s24;
	v16 =	vld [tilespmem:s25+$0x3800]  }
0x18b: {  	_ =	sdelay $0x1  }
0x18c: {  	v17 =	vsel vm0, $0xFFFFFFFF, v3  }
0x18d: {  	v17 =	vadd.s32 s20, v17;
	v18, _, _ =	vpop (xrf0)  }
0x18e: {  	v16 =	vmul.u32 $0x2710, v16;
	v17 =	vadd.s32 v18, v17;
	_ =	sdelay $0x1  }
0x18f: {  	v15 =	vadd.s32 v15, v16  }
0x190: {  	v15 =	vshll.u32 v15, $0xE  }
0x191: {  	v14 =	vor.u32 v14, v15  }
0x192: {  	s23 =	sshra.s32 s23, $0x2;
	[tilespmem:v17+s8+$0x0] =	vst.idx.msk vm0, v14  }
0x193: {  	v14 =	vld [tilespmem:s23+$0x3000]  }
0x194: {  	v15 =	vld [tilespmem:s23+$0x2800];
	_ =	sdelay $0x6  }
0x195: {  	v16 =	vld.idx.msk [tilespmem:v14+s31+$0x0], $0xffff  }
0x196: {  	v17 =	vld.idx.msk [tilespmem:v15+s31+$0x0], $0xffff  }
0x197: {  	(v2sf) =	vpush v18, $0xF;
	_ =	sdelay $0x3  }
0x198: {  	vm0 =	veq.s32 v17, v12;
	vm1 =	veq.s32 v16, v13  }
0x199: {  	vm0 =	vmand vm0, vm1  }
0x19a: {  	v16 =	vsel vm0, $0x1, v3  }
0x19b: {  	(xrf0) =	vadd.scan.msk.s32 $0xffff, v16;
	_ =	sdelay $0x5  }
0x19c: {  	v17 =	vld [tilespmem:s23+$0x3800];
	v16, _, _ =	vpop (xrf0)  }
0x19d: {  	(v2sf) =	vpush v16, $0xF  }
0x19e: {  	s24 =	spop (v2sf)  }
0x19f: {  	s20 =	sadd.s32 s20, s24;
	v18 =	vsel vm0, $0xFFFFFFFF, v3  }
0x1a0: {  	v18 =	vadd.s32 s20, v18  }
0x1a1: {  	v17 =	vmul.u32 $0x2710, v17;
	v16 =	vadd.s32 v16, v18;
	_ =	sdelay $0x1  }
0x1a2: {  	v15 =	vadd.s32 v15, v17  }
0x1a3: {  	v15 =	vshll.u32 v15, $0xE  }
0x1a4: {  	v14 =	vor.u32 v14, v15  }
0x1a5: {  	s24 =	rddreg [dreg:$0x12];
	s23 =	simm.s32 $0x0;
	[tilespmem:v16+s8+$0x0] =	vst.idx.msk vm0, v14  }
0x1a6: {  	[tilespmem:s1], [sflag:$0x1] =	stream.linear.gather [hbm4b:s24+s23], $0x7D0, $0x38;
	[tilespmem:$0x1E580] =	vst v63  }
0x1a7: {  	s25 =	rddreg [dreg:$0x13]  }
0x1a8: {  	[tilespmem:s3], [sflag:$0x2] =	stream.linear.gather [hbm4b:s25+s23], $0x7D0, $0x38;
	[tilespmem:$0x1E580] =	vst v63  }
0x1a9: {  	s25 =	rddreg [dreg:$0x14]  }
0x1aa: {  	[tilespmem:s4], [sflag:$0x3] =	stream.linear.gather [hbm4b:s25+s23], $0x7D0, $0x38;
	[tilespmem:$0x1E580] =	vst v63  }
0x1ab: {  	s26 =	spop (v2sf)  }
0x1ac: {  	_ =	swait.ge [sflag:s5], $0x7D0  }
0x1ad: {  	[sflag:s5] =	ssyncset.done $0x0  }
0x1ae: {  	[sflag:s5] =	ssyncadd.s32 $0xFFFFF830  }
0x1af: {  	_ =	swait.ge [sflag:s6], $0x7D0  }
0x1b0: {  	[sflag:s6] =	ssyncset.done $0x0  }
0x1b1: {  	[sflag:s6] =	ssyncadd.s32 $0xFFFFF830  }
0x1b2: {  	_ =	swait.ge [sflag:s7], $0x7D0  }
0x1b3: {  	[sflag:s7] =	ssyncset.done $0x0  }
0x1b4: {  	s20 =	sadd.s32 s20, s26;
	s26 =	simm.s32 $0x0;
	[sflag:s7] =	ssyncadd.s32 $0xFFFFF830  }
0x1b5: {  	v14 =	vld [tilespmem:s26+$0x3000]  }
0x1b6: {  	v15 =	vld [tilespmem:s26+$0x2800];
	_ =	sdelay $0x6  }
0x1b7: {  	v16 =	vld.idx.msk [tilespmem:v14+s31+$0x0], $0xffff  }
0x1b8: {  	v17 =	vld.idx.msk [tilespmem:v15+s31+$0x0], $0xffff;
	_ =	sdelay $0x4  }
0x1b9: {  	vm0 =	veq.s32 v17, v12;
	vm1 =	veq.s32 v16, v13  }
0x1ba: {  	vm0 =	vmand vm0, vm1  }
0x1bb: {  	v16 =	vsel vm0, $0x1, v3  }
0x1bc: {  	(xrf0) =	vadd.scan.msk.s32 $0xffff, v16;
	_ =	sdelay $0x1  }
0x1bd: {  	s24 =	simm.s32 $0x80;
	s23 =	simm.s32 $0x40;
	v16 =	vld [tilespmem:s26+$0x3800]  }
.LBB2_12:
0x1be: {  	p0 =	seq.s32 s24, $0x1F00;
	_ =	sdelay $0x1  }
0x1bf: {  	v17 =	vsel vm0, $0xFFFFFFFF, v3  }
0x1c0: {  	v17 =	vadd.s32 s20, v17;
	v18, _, _ =	vpop (xrf0)  }
0x1c1: {  	v16 =	vmul.u32 $0x2710, v16;
	v17 =	vadd.s32 v18, v17;
	(v2sf) =	vpush v18, $0xF;
	_ =	sdelay $0x1  }
0x1c2: {  	v15 =	vadd.s32 v15, v16  }
0x1c3: {  	v15 =	vshll.u32 v15, $0xE  }
0x1c4: {  	v14 =	vor.u32 v14, v15  }
0x1c5: {  	s25 =	sshra.s32 s23, $0x2;
	s23 =	smov.u32 s24;
	[tilespmem:v17+s8+$0x0] =	vst.idx.msk vm0, v14  }
0x1c6: {  	v14 =	vld [tilespmem:s25+$0x3000]  }
0x1c7: {  	v15 =	vld [tilespmem:s25+$0x2800];
	_ =	sdelay $0x6  }
0x1c8: {  	v16 =	vld.idx.msk [tilespmem:v14+s31+$0x0], $0xffff  }
0x1c9: {  	v17 =	vld.idx.msk [tilespmem:v15+s31+$0x0], $0xffff;
	s26 =	spop (v2sf)  }
0x1ca: {  	s20 =	sadd.s32 s20, s26;
	_ =	sdelay $0x4  }
0x1cb: {  	vm1 =	veq.s32 v16, v13;
	vm0 =	veq.s32 v17, v12  }
.Ltmp7:
0x1cc: {  	vm0 =	vmand vm0, vm1;
	(pc) =	sbr.rel @!p0 .LBB2_12-.Ltmp7, $3  }
0x1cd: {  	v16 =	vsel vm0, $0x1, v3  }
0x1ce: {  	(xrf0) =	vadd.scan.msk.s32 $0xffff, v16;
	_ =	sdelay $0x1  }
0x1cf: {  	s24 =	sadd.s32 $0x40, s24;
	v16 =	vld [tilespmem:s25+$0x3800]  }
0x1d0: {  	_ =	sdelay $0x1  }
0x1d1: {  	v17 =	vsel vm0, $0xFFFFFFFF, v3  }
0x1d2: {  	v17 =	vadd.s32 s20, v17;
	v18, _, _ =	vpop (xrf0)  }
0x1d3: {  	v16 =	vmul.u32 $0x2710, v16;
	v17 =	vadd.s32 v18, v17;
	_ =	sdelay $0x1  }
0x1d4: {  	v15 =	vadd.s32 v15, v16  }
0x1d5: {  	v15 =	vshll.u32 v15, $0xE  }
0x1d6: {  	v14 =	vor.u32 v14, v15  }
0x1d7: {  	s23 =	sshra.s32 s23, $0x2;
	[tilespmem:v17+s8+$0x0] =	vst.idx.msk vm0, v14  }
0x1d8: {  	v14 =	vld [tilespmem:s23+$0x3000]  }
0x1d9: {  	v51 =	vld [tilespmem:s23+$0x2800];
	_ =	sdelay $0x6  }
0x1da: {  	v52 =	vld.idx.msk [tilespmem:v14+s31+$0x0], $0xffff  }
0x1db: {  	v17 =	vld.idx.msk [tilespmem:v51+s31+$0x0], $0xffff;
	_ =	sdelay $0x4  }
0x1dc: {  	vm15 =	veq.s32 v17, v12;
	vm1 =	veq.s32 v52, v13  }
0x1dd: {  	vm0 =	vmand vm15, vm1  }
0x1de: {  	v53 =	vsel vm0, $0x1, v3  }
0x1df: {  	(xrf0) =	vadd.scan.msk.s32 $0xffff, v53;
	_ =	sdelay $0x4  }
0x1e0: {  	(v2sf) =	vpush v18, $0xF  }
0x1e1: {  	v12, _, _ =	vpop (xrf0)  }
0x1e2: {  	(v2sf) =	vpush v12, $0xF;
	_ =	sdelay $0xa  }
0x1e3: {  	v54 =	vld [tilespmem:s23+$0x3800];
	_ =	sdelay $0x1  }
0x1e4: {  	s24 =	spop (v2sf)  }
0x1e5: {  	s25 =	sadd.s32 s20, s24;
	v55 =	vsel vm0, $0xFFFFFFFF, v3  }
0x1e6: {  	v16 =	vadd.s32 s25, v55;
	s26 =	spop (v2sf)  }
0x1e7: {  	v13 =	vmul.u32 $0x2710, v54;
	v12 =	vadd.s32 v12, v16;
	s20 =	sadd.s32 s25, s26  }
0x1e8: {  	v56 =	vadd.s32 s20, v2;
	s23 =	sadd.s32 $0x10, s20  }
0x1e9: {  	v13 =	vadd.s32 v51, v13;
	s24 =	sadd.s32 $0x20, s20;
	v57 =	vadd.s32 s23, v2  }
0x1ea: {  	v13 =	vshll.u32 v13, $0xE;
	s25 =	sadd.s32 $0x30, s20;
	v58 =	vadd.s32 s24, v2  }
0x1eb: {  	v13 =	vor.u32 v14, v13;
	s26 =	sadd.s32 $0x40, s20;
	v59 =	vadd.s32 s25, v2  }
0x1ec: {  	[tilespmem:v12+s8+$0x0] =	vst.idx.msk vm0, v13;
	v60 =	vadd.s32 s26, v2;
	s24 =	sadd.s32 $0x50, s20  }
0x1ed: {  	s25 =	sadd.s32 $0x60, s20;
	v61 =	vadd.s32 s24, v2;
	[tilespmem:v56+s8+$0x0] =	vst.idx.msk $0xffff, v4  }
0x1ee: {  	s26 =	sadd.s32 $0x70, s20;
	v62 =	vadd.s32 s25, v2;
	[tilespmem:v57+s8+$0x0] =	vst.idx.msk $0xffff, v4  }
0x1ef: {  	v63 =	vadd.s32 s26, v2;
	[tilespmem:v58+s8+$0x0] =	vst.idx.msk $0xffff, v4  }
0x1f0: {  	[tilespmem:v59+s8+$0x0] =	vst.idx.msk $0xffff, v4  }
0x1f1: {  	[tilespmem:v60+s8+$0x0] =	vst.idx.msk $0xffff, v4  }
0x1f2: {  	[tilespmem:v61+s8+$0x0] =	vst.idx.msk $0xffff, v4  }
0x1f3: {  	[tilespmem:v62+s8+$0x0] =	vst.idx.msk $0xffff, v4  }
0x1f4: {  	[tilespmem:v63+s8+$0x0] =	vst.idx.msk $0xffff, v4  }
0x1f5: {  	_ =	swait.ge [sflag:s9], $0x4000  }
0x1f6: {  	[sflag:s9] =	ssyncset.done $0x0  }
0x1f7: {  	[sflag:s9] =	ssyncadd.s32 $0xFFFFC000  }
0x1f8: {  	_ =	swait.ge [sflag:s9], $0x4000  }
0x1f9: {  	[sflag:s9] =	ssyncset.done $0x0  }
0x1fa: {  	[sflag:s9] =	ssyncadd.s32 $0xFFFFC000  }
0x1fb: {  	_ =	swait.ge [sflag:s9], $0x4000  }
0x1fc: {  	[sflag:s9] =	ssyncset.done $0x0  }
0x1fd: {  	[sflag:s9] =	ssyncadd.s32 $0xFFFFC000  }
0x1fe: {  	_ =	swait.ge [sflag:s9], $0x4000  }
0x1ff: {  	s20 =	sadd.s32 $0x7F, s20;
	[sflag:s9] =	ssyncset.done $0x0  }
0x200: {  	p0 =	sgt.s32 s20, $0x7F;
	[sflag:s9] =	ssyncadd.s32 $0xFFFFC000  }
.Ltmp8:
0x201: {  	_ =	swait.ge [sflag:s9], $0x3C00;
	(pc) =	sbr.rel @!p0 .LBB2_18-.Ltmp8, $3  }
0x202: {  	[sflag:s9] =	ssyncset.done $0x0  }
0x203: {  	[sflag:s9] =	ssyncadd.s32 $0xFFFFC400  }
0x204: {  	[bflag:$0x0] =	sbarrier.arrive $0xFFFF;
	_ =	sdelay $0x1  }
0x205: {  	s23 =	sshra.s32 s20, $0x1F  }
0x206: {  	s23 =	sshrl.u32 s23, $0x19  }
0x207: {  	s25 =	sadd.s32 s23, s20  }
0x208: {  	s26 =	simm.s32 $0x0;
	s20 =	sshra.s32 s25, $0x7  }
0x209: {  	v12 =	vmov s26;
	p1 =	sne.s32 s20, $0x1  }
.Ltmp9:
0x20a: {  	v12 =	vshrl.u32 v12, $0x7;
	(pc) =	sbr.rel @!p1 .LBB2_17-.Ltmp9, $3  }
0x20b: {  	v12 =	vshll.u32 v12, $0x7  }
0x20c: {  	v12 =	vbroadcast v12, $0x0;
	_ =	sdelay $0x1  }
0x20d: {  	p0 =	por $0x0, $0x0;
	s23 =	sadd.s32 $0xFFFFFFFF, s20;
	v13 =	vor.u32 v2, v12  }
0x20e: {  	_ =	sdelay $0x3  }
0x20f: {  	v13 =	vld.idx.msk [tilespmem:v13+s8+$0x0], $0xffff;
	_ =	sdelay $0x2  }
0x210: {  	v14 =	vor.u32 v5, v12;
	_ =	sdelay $0x1  }
0x211: {  	v15 =	vshrl.u32 v13, $0xE;
	v13 =	vand.u32 $0x3FFF, v13  }
0x212: {  	v15 =	vadd.s32 v0, v15;
	[tilespmem:$0x6900] =	vst v13  }
0x213: {  	[tilespmem:$0x6880] =	vst v15  }
0x214: {  	v13 =	vld.idx.msk [tilespmem:v14+s8+$0x0], $0xffff;
	_ =	sdelay $0x2  }
0x215: {  	v14 =	vor.u32 v6, v12;
	_ =	sdelay $0x1  }
0x216: {  	v15 =	vshrl.u32 v13, $0xE;
	v13 =	vand.u32 $0x3FFF, v13  }
0x217: {  	v15 =	vadd.s32 v0, v15;
	[tilespmem:$0x6910] =	vst v13  }
0x218: {  	[tilespmem:$0x6890] =	vst v15  }
0x219: {  	v13 =	vld.idx.msk [tilespmem:v14+s8+$0x0], $0xffff;
	_ =	sdelay $0x2  }
0x21a: {  	v14 =	vor.u32 v7, v12;
	_ =	sdelay $0x1  }
0x21b: {  	v15 =	vshrl.u32 v13, $0xE;
	v13 =	vand.u32 $0x3FFF, v13  }
0x21c: {  	v15 =	vadd.s32 v0, v15;
	[tilespmem:$0x6920] =	vst v13  }
0x21d: {  	[tilespmem:$0x68A0] =	vst v15  }
0x21e: {  	v13 =	vld.idx.msk [tilespmem:v14+s8+$0x0], $0xffff;
	_ =	sdelay $0x2  }
0x21f: {  	v14 =	vor.u32 v8, v12;
	_ =	sdelay $0x1  }
0x220: {  	v15 =	vshrl.u32 v13, $0xE;
	v13 =	vand.u32 $0x3FFF, v13  }
0x221: {  	v15 =	vadd.s32 v0, v15;
	[tilespmem:$0x6930] =	vst v13  }
0x222: {  	[tilespmem:$0x68B0] =	vst v15  }
0x223: {  	v13 =	vld.idx.msk [tilespmem:v14+s8+$0x0], $0xffff;
	_ =	sdelay $0x2  }
0x224: {  	v14 =	vor.u32 v9, v12;
	_ =	sdelay $0x1  }
0x225: {  	v15 =	vshrl.u32 v13, $0xE;
	v13 =	vand.u32 $0x3FFF, v13  }
0x226: {  	v15 =	vadd.s32 v0, v15;
	[tilespmem:$0x6940] =	vst v13  }
0x227: {  	[tilespmem:$0x68C0] =	vst v15  }
0x228: {  	v13 =	vld.idx.msk [tilespmem:v14+s8+$0x0], $0xffff;
	_ =	sdelay $0x2  }
0x229: {  	v14 =	vor.u32 v10, v12;
	_ =	sdelay $0x1  }
0x22a: {  	v15 =	vshrl.u32 v13, $0xE;
	v13 =	vand.u32 $0x3FFF, v13  }
0x22b: {  	v15 =	vadd.s32 v0, v15;
	[tilespmem:$0x6950] =	vst v13  }
0x22c: {  	[tilespmem:$0x68D0] =	vst v15  }
0x22d: {  	v13 =	vld.idx.msk [tilespmem:v14+s8+$0x0], $0xffff;
	_ =	sdelay $0x2  }
0x22e: {  	v12 =	vor.u32 v11, v12;
	_ =	sdelay $0x1  }
0x22f: {  	v14 =	vshrl.u32 v13, $0xE;
	v13 =	vand.u32 $0x3FFF, v13  }
0x230: {  	v14 =	vadd.s32 v0, v14;
	[tilespmem:$0x6960] =	vst v13  }
0x231: {  	[tilespmem:$0x68E0] =	vst v14  }
0x232: {  	v12 =	vld.idx.msk [tilespmem:v12+s8+$0x0], $0xffff;
	_ =	sdelay $0x4  }
0x233: {  	v13 =	vshrl.u32 v12, $0xE;
	v12 =	vand.u32 $0x3FFF, v12  }
0x234: {  	v13 =	vadd.s32 v0, v13;
	[tilespmem:$0x6970] =	vst v12  }
0x235: {  	[tilespmem:$0x68F0] =	vst v13  }
0x236: {  	[tilespmem:s0], [sflag:$0x1] =	stream.indirect.gather [hbm4b:s21+s10], $0x80, s11, s10, $0xb8;
	[tilespmem:$0x1E580] =	vst v63  }
0x237: {  	_ = 	snop  }
0x238: {  	[tilespmem:s13], [sflag:$0x2] =	stream.indirect.gather [hbm4b:s21+s10], $0x80, s12, s10, $0xb8;
	[tilespmem:$0x1E580] =	vst v63  }
0x239: {  	_ = 	snop  }
0x23a: {  	[tilespmem:s15], [sflag:$0x3] =	stream.indirect.gather [hbm4b:s21+s10], $0x80, s14, s10, $0xb8;
	[tilespmem:$0x1E580] =	vst v63  }
0x23b: {  	_ = 	snop  }
0x23c: {  	[tilespmem:s17], [sflag:$0x4] =	stream.indirect.gather [hbm4b:s21+s10], $0x80, s16, s10, $0xb8;
	[tilespmem:$0x1E580] =	vst v63  }
0x23d: {  	_ =	swait.ge [sflag:s5], $0x1000  }
0x23e: {  	[sflag:s5] =	ssyncset.done $0x0  }
0x23f: {  	[sflag:s5] =	ssyncadd.s32 $0xFFFFF000  }
0x240: {  	_ =	swait.ge [sflag:s6], $0x1000  }
0x241: {  	[sflag:s6] =	ssyncset.done $0x0  }
0x242: {  	s20 =	simm.s32 $0x80;
	[sflag:s6] =	ssyncadd.s32 $0xFFFFF000  }
0x243: {  	v12 =	vmov s20;
	_ =	swait.ge [sflag:s7], $0x1000  }
0x244: {  	v12 =	vshrl.u32 v12, $0x7;
	[sflag:s7] =	ssyncset.done $0x0  }
0x245: {  	v12 =	vshll.u32 v12, $0x7;
	[sflag:s7] =	ssyncadd.s32 $0xFFFFF000  }
0x246: {  	p1 =	sne.s32 s23, $0x1;
	v12 =	vbroadcast v12, $0x0;
	_ =	swait.ge [sflag:s9], $0x1000  }
.Ltmp10:
0x247: {  	[sflag:s9] =	ssyncset.done $0x0;
	(pc) =	sbr.rel @!p1 .LBB2_17-.Ltmp10, $4  }
0x248: {  	v13 =	vor.u32 v2, v12;
	[sflag:s9] =	ssyncadd.s32 $0xFFFFF000  }
0x249: {  	[spmem:s2] =	stream.indirect.scatter.add.f32 [tilespmem:s0], [sflag:$0x5], $0x80, s18, s31, $0xb8;
	[tilespmem:$0x1E580] =	vst v63  }
0x24a: {  	_ =	swait.ge [sflag:s30], $0x4000  }
0x24b: {  	s23 =	sadd.s32 $0xFFFFFFFF, s23;
	p0 =	por $0x1, $0x1;
	[sflag:s30] =	ssyncset.done $0x0  }
.LBB2_16:
0x24c: {  	p1 =	sne.s32 s23, $0x1;
	s23 =	sadd.s32 $0xFFFFFFFF, s23;
	[sflag:s30] =	ssyncadd.s32 $0xFFFFC000  }
0x24d: {  	v13 =	vld.idx.msk [tilespmem:v13+s8+$0x0], $0xffff;
	_ =	sdelay $0x3  }
0x24e: {  	v14 =	vor.u32 v5, v12;
	_ =	sdelay $0x1  }
0x24f: {  	v15 =	vshrl.u32 v13, $0xE;
	v13 =	vand.u32 $0x3FFF, v13  }
0x250: {  	v15 =	vadd.s32 v0, v15;
	[tilespmem:$0x6900] =	vst v13  }
0x251: {  	[tilespmem:$0x6880] =	vst v15  }
0x252: {  	v13 =	vld.idx.msk [tilespmem:v14+s8+$0x0], $0xffff;
	_ =	sdelay $0x3  }
0x253: {  	v14 =	vor.u32 v6, v12;
	_ =	sdelay $0x1  }
0x254: {  	v15 =	vshrl.u32 v13, $0xE;
	v13 =	vand.u32 $0x3FFF, v13  }
0x255: {  	v15 =	vadd.s32 v0, v15;
	[tilespmem:$0x6910] =	vst v13  }
0x256: {  	[tilespmem:$0x6890] =	vst v15  }
0x257: {  	v13 =	vld.idx.msk [tilespmem:v14+s8+$0x0], $0xffff;
	_ =	sdelay $0x3  }
0x258: {  	v14 =	vor.u32 v7, v12;
	_ =	sdelay $0x1  }
0x259: {  	v15 =	vshrl.u32 v13, $0xE;
	v13 =	vand.u32 $0x3FFF, v13  }
0x25a: {  	v15 =	vadd.s32 v0, v15;
	[tilespmem:$0x6920] =	vst v13  }
0x25b: {  	[tilespmem:$0x68A0] =	vst v15  }
0x25c: {  	v13 =	vld.idx.msk [tilespmem:v14+s8+$0x0], $0xffff;
	_ =	sdelay $0x3  }
0x25d: {  	v14 =	vor.u32 v8, v12;
	_ =	sdelay $0x1  }
0x25e: {  	v15 =	vshrl.u32 v13, $0xE;
	v13 =	vand.u32 $0x3FFF, v13  }
0x25f: {  	v15 =	vadd.s32 v0, v15;
	[tilespmem:$0x6930] =	vst v13  }
0x260: {  	[tilespmem:$0x68B0] =	vst v15  }
0x261: {  	v13 =	vld.idx.msk [tilespmem:v14+s8+$0x0], $0xffff;
	_ =	sdelay $0x3  }
0x262: {  	v14 =	vor.u32 v9, v12;
	_ =	sdelay $0x1  }
0x263: {  	v15 =	vshrl.u32 v13, $0xE;
	v13 =	vand.u32 $0x3FFF, v13  }
0x264: {  	v15 =	vadd.s32 v0, v15;
	[tilespmem:$0x6940] =	vst v13  }
0x265: {  	[tilespmem:$0x68C0] =	vst v15  }
0x266: {  	v13 =	vld.idx.msk [tilespmem:v14+s8+$0x0], $0xffff;
	_ =	sdelay $0x3  }
0x267: {  	v14 =	vor.u32 v10, v12;
	_ =	sdelay $0x1  }
0x268: {  	v15 =	vshrl.u32 v13, $0xE;
	v13 =	vand.u32 $0x3FFF, v13  }
0x269: {  	v15 =	vadd.s32 v0, v15;
	[tilespmem:$0x6950] =	vst v13  }
0x26a: {  	[tilespmem:$0x68D0] =	vst v15  }
0x26b: {  	v13 =	vld.idx.msk [tilespmem:v14+s8+$0x0], $0xffff;
	_ =	sdelay $0x3  }
0x26c: {  	v12 =	vor.u32 v11, v12;
	_ =	sdelay $0x1  }
0x26d: {  	v14 =	vshrl.u32 v13, $0xE;
	v13 =	vand.u32 $0x3FFF, v13  }
0x26e: {  	v14 =	vadd.s32 v0, v14;
	[tilespmem:$0x6960] =	vst v13  }
0x26f: {  	[tilespmem:$0x68E0] =	vst v14  }
0x270: {  	v12 =	vld.idx.msk [tilespmem:v12+s8+$0x0], $0xffff;
	_ =	sdelay $0x5  }
0x271: {  	v13 =	vshrl.u32 v12, $0xE;
	v12 =	vand.u32 $0x3FFF, v12  }
0x272: {  	v13 =	vadd.s32 v0, v13;
	[tilespmem:$0x6970] =	vst v12  }
0x273: {  	[tilespmem:$0x68F0] =	vst v13  }
0x274: {  	[tilespmem:s0], [sflag:$0x1] =	stream.indirect.gather [hbm4b:s21+s10], $0x80, s11, s10, $0xb8;
	[tilespmem:$0x1E580] =	vst v63  }
0x275: {  	_ = 	snop  }
0x276: {  	[tilespmem:s13], [sflag:$0x2] =	stream.indirect.gather [hbm4b:s21+s10], $0x80, s12, s10, $0xb8;
	[tilespmem:$0x1E580] =	vst v63  }
0x277: {  	_ = 	snop  }
0x278: {  	[tilespmem:s15], [sflag:$0x3] =	stream.indirect.gather [hbm4b:s21+s10], $0x80, s14, s10, $0xb8;
	[tilespmem:$0x1E580] =	vst v63  }
0x279: {  	_ = 	snop  }
0x27a: {  	[tilespmem:s17], [sflag:$0x4] =	stream.indirect.gather [hbm4b:s21+s10], $0x80, s16, s10, $0xb8;
	[tilespmem:$0x1E580] =	vst v63  }
0x27b: {  	_ =	swait.ge [sflag:s5], $0x1000  }
0x27c: {  	[sflag:s5] =	ssyncset.done $0x0  }
0x27d: {  	[sflag:s5] =	ssyncadd.s32 $0xFFFFF000  }
0x27e: {  	_ =	swait.ge [sflag:s6], $0x1000  }
0x27f: {  	[sflag:s6] =	ssyncset.done $0x0  }
0x280: {  	s20 =	sadd.s32 $0x80, s20;
	[sflag:s6] =	ssyncadd.s32 $0xFFFFF000  }
0x281: {  	v12 =	vmov s20;
	_ =	swait.ge [sflag:s7], $0x1000  }
0x282: {  	v12 =	vshrl.u32 v12, $0x7;
	[sflag:s7] =	ssyncset.done $0x0  }
0x283: {  	v12 =	vshll.u32 v12, $0x7;
	[sflag:s7] =	ssyncadd.s32 $0xFFFFF000  }
0x284: {  	v12 =	vbroadcast v12, $0x0;
	_ =	swait.ge [sflag:s9], $0x1000  }
.Ltmp11:
0x285: {  	[sflag:s9] =	ssyncset.done $0x0;
	(pc) =	sbr.rel @p1 .LBB2_16-.Ltmp11, $4  }
0x286: {  	v13 =	vor.u32 v2, v12;
	[sflag:s9] =	ssyncadd.s32 $0xFFFFF000  }
0x287: {  	[spmem:s2] =	stream.indirect.scatter.add.f32 [tilespmem:s0], [sflag:$0x5], $0x80, s18, s31, $0xb8;
	[tilespmem:$0x1E580] =	vst v63  }
0x288: {  	_ =	swait.ge [sflag:s30], $0x4000  }
0x289: {  	[sflag:s30] =	ssyncset.done $0x0  }
.Ltmp12:
0x28a: {  	_ = 	snop;
	(pc) =	sbr.rel .LBB2_17-.Ltmp12, $1  }
0x28b: {  	_ =	sdelay $0x3  }
.LBB2_19:
0x28c: {  	_ =	sfence.sel $0x180000  }
0x28d: {  	[bflag:$0x0] =	sbarrier.arrive $0xFFFF  }
0x28e: {  	_ =	strace $0x90000047  }
0x28f: {  	s0 =	stileid.u32;
	[bflag:$0x2] =	sbarrier.arrive $0xFFFF  }
0x290: {  	p0 =	sne.s32 s0, $0x0;
	s0 =	rddreg [dreg:$0x5]  }
0x291: {  	s0 =	sadd.s32 @!p0 $0x100000, s0  }
0x292: {  	[sflag:s0] =	ssyncadd.tile.s32 @!p0 $0x1;
	_ =	shalt  }
.Lfunc_end2:
_tile_overlayer_lowered:
.L_overlay_start_2:
0x293: {  	(tag) =	ssettag $0x2  }
0x294: {  	s0 =	rddreg [dreg:$0x0];
	s2 =	stileid.u32  }
0x295: {  	s1 =	rddreg [dreg:$0x1];
	p0 =	sne.s32 s2, $0x0  }
0x296: {  	s3 =	rddreg [dreg:$0x2];
	[bflag:$0x3] =	sbarrier.arrive $0xFFFF;
	s2 =	simm.s32 @!p0 $0x1C05  }
0x297: {  	[timem:s3], [sflag:s2] =	dma.local @!p0 [hbm:s0], s1  }
0x298: {  	s0 =	simm.s32 @!p0 $0x5  }
0x299: {  	_ =	swait.ge @!p0 [sflag:s0], s1  }
0x29a: {  	s1 =	ssub.s32 @!p0 $0x0, s1;
	[sflag:s0] =	ssyncset.done @!p0 $0x0  }
0x29b: {  	[sflag:s0] =	ssyncadd.s32 @!p0 s1  }
0x29c: {  	[bflag:$0x3] =	sbarrier.arrive $0xFFFF  }
0x29d: {  	_ =	shalt  }

</sc_bundles>
